<compile_context>
chip_gen: v7x
topology: tpu7x:2x2x1
jax: 0.10.2.dev20260603
libtpu: 0.0.44.dev20260713+nightly
codegen_flags: <defaults>
</compile_context>

<pallas_src>
import jax
import jax.numpy as jnp
from jax import lax
from jax.experimental import pallas as pl
from jax.experimental.pallas import tpu as pltpu
from jax.experimental.pallas import tpu_sc as plsc

_N = 10000
_E = 320000
_D = 128
_NC, _NS = 2, 16
_NW = _NC * _NS
_EPT = _E // _NW
_K = 128
_NFULL = _EPT // _K
_TAIL = _EPT - _NFULL * _K
_RPT = 624
_REM = _N - _NS * _RPT
_DEG_PAD = 10240
_DPT = _DEG_PAD // _NS


def _sc_body(x_hbm, edge_hbm,
             acc0_hbm, acc1_hbm, deg0_hbm, deg1_hbm,
             acc_sh, deg_sh, rows0, rows1, sidx0, sidx1, didx0, didx1,
             rows_t, sidx_t, didx_t, ones_v, dz, gsem, isem, ssem, dsem):
    c = lax.axis_index("c")
    s = lax.axis_index("s")
    wid = c * _NS + s
    base = wid * _EPT
    rows_b = (rows0, rows1)
    sidx_b = (sidx0, sidx1)
    didx_b = (didx0, didx1)

    def _start_idx(j, b):
        off = pl.multiple_of(base + j * _K, 8)
        pltpu.async_copy(edge_hbm.at[pl.ds(off, _K)], sidx_b[b],
                         isem.at[b])
        pltpu.async_copy(edge_hbm.at[pl.ds(_E + off, _K)], didx_b[b],
                         isem.at[b])

    def _wait_idx(b):
        pltpu.make_async_copy(edge_hbm.at[pl.ds(0, _K)], sidx_b[b],
                              isem.at[b]).wait()
        pltpu.make_async_copy(edge_hbm.at[pl.ds(0, _K)], didx_b[b],
                              isem.at[b]).wait()

    def _start_gather(b):
        pltpu.async_copy(x_hbm.at[sidx_b[b]], rows_b[b], gsem.at[b])

    def _wait_gather(b):
        pltpu.make_async_copy(x_hbm.at[sidx_b[b]], rows_b[b],
                              gsem.at[b]).wait()

    for i in range(_K // 16):
        ones_v[pl.ds(i * 16, 16)] = jnp.ones((16,), jnp.float32)
    for i in range(_DPT // 16):
        dz[pl.ds(i * 16, 16)] = jnp.zeros((16,), jnp.float32)

    @pl.loop(0, _K)
    def _zero_rows(r):
        for i in range(_D // 16):
            rows0[r, pl.ds(i * 16, 16)] = jnp.zeros((16,), jnp.float32)

    _start_idx(0, 0)
    _start_idx(1, 1)

    for t in range(4):
        pltpu.sync_copy(rows0.at[pl.ds(0, _K), :],
                        acc_sh.at[pl.ds(s * _RPT + t * _K, _K), :])
    pltpu.sync_copy(rows0.at[pl.ds(0, _RPT - 4 * _K), :],
                    acc_sh.at[pl.ds(s * _RPT + 4 * _K, _RPT - 4 * _K), :])

    @pl.when(s == _NS - 1)
    def _zero_rem():
        pltpu.sync_copy(rows0.at[pl.ds(0, _REM), :],
                        acc_sh.at[pl.ds(_NS * _RPT, _REM), :])

    pltpu.sync_copy(dz, deg_sh.at[pl.ds(s * _DPT, _DPT)])

    _wait_idx(0)
    _start_gather(0)
    plsc.subcore_barrier()

    @pl.loop(0, _NFULL, step=2)
    def _chunk(g):
        for b in range(2):
            j = g + b
            nxt = 1 - b

            @pl.when(j + 1 < _NFULL)
            def _prefetch_gather():
                _wait_idx(nxt)
                _start_gather(nxt)

            _wait_gather(b)

            @pl.when(j + 2 < _NFULL)
            def _prefetch_idx():
                _start_idx(j + 2, b)

            d_acc = pltpu.async_copy(rows_b[b], acc_sh.at[didx_b[b]],
                                     ssem, add=True)
            d_deg = pltpu.async_copy(ones_v, deg_sh.at[didx_b[b]],
                                     dsem, add=True)
            d_acc.wait()
            d_deg.wait()

    toff = pl.multiple_of(base + _NFULL * _K, 8)
    pltpu.sync_copy(edge_hbm.at[pl.ds(toff, _TAIL)], sidx_t)
    pltpu.sync_copy(edge_hbm.at[pl.ds(_E + toff, _TAIL)], didx_t)
    pltpu.sync_copy(x_hbm.at[sidx_t], rows_t)
    pltpu.sync_copy(rows_t, acc_sh.at[didx_t], add=True)
    pltpu.sync_copy(ones_v.at[pl.ds(0, _TAIL)], deg_sh.at[didx_t], add=True)

    plsc.subcore_barrier()

    rbase = s * _RPT
    dbase = s * _DPT
    last = _NS * _RPT

    @pl.when(c == 0)
    def _out0():
        pltpu.sync_copy(acc_sh.at[pl.ds(rbase, _RPT), :],
                        acc0_hbm.at[pl.ds(rbase, _RPT), :])
        pltpu.sync_copy(deg_sh.at[pl.ds(dbase, _DPT)],
                        deg0_hbm.at[pl.ds(dbase, _DPT)])

        @pl.when(s == _NS - 1)
        def _rem0():
            pltpu.sync_copy(acc_sh.at[pl.ds(last, _REM), :],
                            acc0_hbm.at[pl.ds(last, _REM), :])

    @pl.when(c == 1)
    def _out1():
        pltpu.sync_copy(acc_sh.at[pl.ds(rbase, _RPT), :],
                        acc1_hbm.at[pl.ds(rbase, _RPT), :])
        pltpu.sync_copy(deg_sh.at[pl.ds(dbase, _DPT)],
                        deg1_hbm.at[pl.ds(dbase, _DPT)])

        @pl.when(s == _NS - 1)
        def _rem1():
            pltpu.sync_copy(acc_sh.at[pl.ds(last, _REM), :],
                            acc1_hbm.at[pl.ds(last, _REM), :])


_sc_call = pl.kernel(
    _sc_body,
    out_type=(
        jax.ShapeDtypeStruct((_N, _D), jnp.float32),
        jax.ShapeDtypeStruct((_N, _D), jnp.float32),
        jax.ShapeDtypeStruct((_DEG_PAD,), jnp.float32),
        jax.ShapeDtypeStruct((_DEG_PAD,), jnp.float32),
    ),
    mesh=plsc.VectorSubcoreMesh(core_axis_name="c", subcore_axis_name="s"),
    scratch_types=[
        pltpu.VMEM_SHARED((_N, _D), jnp.float32),
        pltpu.VMEM_SHARED((_DEG_PAD,), jnp.float32),
        pltpu.VMEM((_K, _D), jnp.float32),
        pltpu.VMEM((_K, _D), jnp.float32),
        pltpu.VMEM((_K,), jnp.int32),
        pltpu.VMEM((_K,), jnp.int32),
        pltpu.VMEM((_K,), jnp.int32),
        pltpu.VMEM((_K,), jnp.int32),
        pltpu.VMEM((_TAIL, _D), jnp.float32),
        pltpu.VMEM((_TAIL,), jnp.int32),
        pltpu.VMEM((_TAIL,), jnp.int32),
        pltpu.VMEM((_K,), jnp.float32),
        pltpu.VMEM((_DPT,), jnp.float32),
        pltpu.SemaphoreType.DMA((2,)),
        pltpu.SemaphoreType.DMA((2,)),
        pltpu.SemaphoreType.DMA,
        pltpu.SemaphoreType.DMA,
    ],
)


def _tc_body(x_ref, a0_ref, a1_ref, d0_ref, d1_ref, o_ref):
    summed = a0_ref[...] + a1_ref[...]
    deg = jnp.maximum(d0_ref[...] + d1_ref[...], 1.0)
    o_ref[:, :_D] = x_ref[...]
    o_ref[:, _D:] = summed / deg


_BLK = 1000


def _tc_call(x, a0, a1, d0, d1):
    return pl.pallas_call(
        _tc_body,
        grid=(_N // _BLK,),
        in_specs=[
            pl.BlockSpec((_BLK, _D), lambda i: (i, 0)),
            pl.BlockSpec((_BLK, _D), lambda i: (i, 0)),
            pl.BlockSpec((_BLK, _D), lambda i: (i, 0)),
            pl.BlockSpec((_BLK, 1), lambda i: (i, 0)),
            pl.BlockSpec((_BLK, 1), lambda i: (i, 0)),
        ],
        out_specs=pl.BlockSpec((_BLK, 2 * _D), lambda i: (i, 0)),
        out_shape=jax.ShapeDtypeStruct((_N, 2 * _D), jnp.float32),
    )(x, a0, a1, d0, d1)


def kernel(x, edge_index):
    x = x.astype(jnp.float32)
    ei = edge_index.astype(jnp.int32).reshape(2 * _E)
    acc0, acc1, deg0, deg1 = _sc_call(x, ei)
    d0 = deg0.reshape(_DEG_PAD, 1)
    d1 = deg1.reshape(_DEG_PAD, 1)
    return _tc_call(x, acc0, acc1, d0, d1)

# --- scband reference (transcript-rebuilt; emitter-appended) ---
"""Pipeline reference for scband-graph-mean-aggregation-module-28295244546274 (READ-ONLY COPY).

The authoritative reference and input builder live on the scoring server;
editing this copy changes nothing except your own understanding.
"""

import jax, jax.numpy as jnp
import numpy as np

N_NODES = 10000
N_EDGES = 320000
D_FEAT = 128


def setup_inputs(seed: int = 0) -> dict:
    key = jax.random.key(seed)
    k1, k2 = jax.random.split(key)
    x = jax.random.normal(k1, (N_NODES, D_FEAT), dtype=jnp.float32)
    edge_index = jax.random.randint(k2, (2, N_EDGES), 0, N_NODES, dtype=jnp.int64)
    return {"x": x, "edge_index": edge_index}


def reference(x, edge_index):
    # GraphMeanAggregationModule with sep=True and a single (homogeneous) edge type.
    # DGL ops.copy_u_mean: for each dst node, mean of src-node features over
    # incoming edges; nodes with zero in-degree get zeros.
    n_nodes = x.shape[0]
    src = edge_index[0]
    dst = edge_index[1]
    msgs = jnp.take(x, src, axis=0)                       # gather  [E, d]
    summed = jax.ops.segment_sum(msgs, dst, num_segments=n_nodes)   # scatter-add [N, d]
    deg = jax.ops.segment_sum(jnp.ones_like(dst, dtype=x.dtype), dst, num_segments=n_nodes)
    mean = summed / jnp.maximum(deg, 1.0)[:, None]        # zero-deg nodes -> 0 (summed is 0)
    # sep=True: prepend the raw features, then concat per-etype aggregates
    out = jnp.concatenate([x, mean], axis=-1)             # [N, 2*d]
    return out

if __name__ == "__main__":
    import jax
    _d = setup_inputs()
    print(jax.jit(kernel)(*tuple(_d.values())))

</pallas_src>

<mosaic_0001>
#map = affine_map<(d0, d1) -> (0, 0)>
#map1 = affine_map<(d0, d1) -> (0)>
module attributes {stable_mosaic.version = 14 : i64} {
  func.func @_sc_body(%arg0: i32, %arg1: i32, %arg2: memref<10000x128xf32, #tpu.memory_space<hbm>>, %arg3: memref<640000xi32, #tpu.memory_space<hbm>>, %arg4: memref<10000x128xf32, #tpu.memory_space<hbm>>, %arg5: memref<10000x128xf32, #tpu.memory_space<hbm>>, %arg6: memref<10240xf32, #tpu.memory_space<hbm>>, %arg7: memref<10240xf32, #tpu.memory_space<hbm>>, %arg8: memref<10000x128xf32, #tpu.memory_space<vmem_shared>>, %arg9: memref<10240xf32, #tpu.memory_space<vmem_shared>>, %arg10: memref<128x128xf32, #tpu.memory_space<vmem>>, %arg11: memref<128x128xf32, #tpu.memory_space<vmem>>, %arg12: memref<128xi32, #tpu.memory_space<vmem>>, %arg13: memref<128xi32, #tpu.memory_space<vmem>>, %arg14: memref<128xi32, #tpu.memory_space<vmem>>, %arg15: memref<128xi32, #tpu.memory_space<vmem>>, %arg16: memref<16x128xf32, #tpu.memory_space<vmem>>, %arg17: memref<16xi32, #tpu.memory_space<vmem>>, %arg18: memref<16xi32, #tpu.memory_space<vmem>>, %arg19: memref<128xf32, #tpu.memory_space<vmem>>, %arg20: memref<640xf32, #tpu.memory_space<vmem>>, %arg21: memref<2x!tpu.dma_semaphore, #tpu.memory_space<semaphore_mem>>, %arg22: memref<2x!tpu.dma_semaphore, #tpu.memory_space<semaphore_mem>>, %arg23: memref<!tpu.dma_semaphore, #tpu.memory_space<semaphore_mem>>, %arg24: memref<!tpu.dma_semaphore, #tpu.memory_space<semaphore_mem>>) attributes {dimension_semantics = [#tpu.dimension_semantics<core_parallel>, #tpu.dimension_semantics<subcore_parallel>], iteration_bounds = array<i64: 2, 16>, scalar_prefetch = 0 : i64, scratch_operands = 17 : i64, tpu.core_type = #tpu.core_type<sc_vector_subcore>, window_params = [{transform_indices = #map}, {transform_indices = #map1}, {transform_indices = #map}, {transform_indices = #map}, {transform_indices = #map1}, {transform_indices = #map1}]} {
    %mul3A = arith.constant 16 : i32
    %mul3A_0 = arith.muli %arg0, %mul3A : i32
    %add3A = arith.addi %mul3A_0, %arg1 : i32
    %mul3A_1 = arith.constant 10000 : i32
    %mul3A_2 = arith.muli %add3A, %mul3A_1 : i32
    %broadcast_in_dim3A = arith.constant 1.000000e+00 : f32
    %broadcast_in_dim3A_3 = vector.broadcast %broadcast_in_dim3A : f32 to vector<16xf32>
    %swap3A = arith.constant 0 : index
    %swap3A_4 = tpu.vector_load %arg19[%swap3A] {strides = array<i32>} : memref<128xf32, #tpu.memory_space<vmem>>, vector<16xf32>,
    %swap3A_5 = vector.shape_cast %swap3A_4 : vector<16xf32> to vector<16xf32>
    %swap3A_6 = vector.shape_cast %broadcast_in_dim3A_3 : vector<16xf32> to vector<16xf32>
    tpu.vector_store %arg19[%swap3A], %swap3A_6 {strides = array<i32>} : memref<128xf32, #tpu.memory_space<vmem>>, vector<16xf32>,
    %broadcast_in_dim3A_7 = arith.constant 1.000000e+00 : f32
    %broadcast_in_dim3A_8 = vector.broadcast %broadcast_in_dim3A_7 : f32 to vector<16xf32>
    %swap3A_9 = arith.constant 16 : index
    %swap3A_10 = tpu.vector_load %arg19[%swap3A_9] {strides = array<i32>} : memref<128xf32, #tpu.memory_space<vmem>>, vector<16xf32>,
    %swap3A_11 = vector.shape_cast %swap3A_10 : vector<16xf32> to vector<16xf32>
    %swap3A_12 = vector.shape_cast %broadcast_in_dim3A_8 : vector<16xf32> to vector<16xf32>
    tpu.vector_store %arg19[%swap3A_9], %swap3A_12 {strides = array<i32>} : memref<128xf32, #tpu.memory_space<vmem>>, vector<16xf32>,
    %broadcast_in_dim3A_13 = arith.constant 1.000000e+00 : f32
    %broadcast_in_dim3A_14 = vector.broadcast %broadcast_in_dim3A_13 : f32 to vector<16xf32>
    %swap3A_15 = arith.constant 32 : index
    %swap3A_16 = tpu.vector_load %arg19[%swap3A_15] {strides = array<i32>} : memref<128xf32, #tpu.memory_space<vmem>>, vector<16xf32>,
    %swap3A_17 = vector.shape_cast %swap3A_16 : vector<16xf32> to vector<16xf32>
    %swap3A_18 = vector.shape_cast %broadcast_in_dim3A_14 : vector<16xf32> to vector<16xf32>
    tpu.vector_store %arg19[%swap3A_15], %swap3A_18 {strides = array<i32>} : memref<128xf32, #tpu.memory_space<vmem>>, vector<16xf32>,
    %broadcast_in_dim3A_19 = arith.constant 1.000000e+00 : f32
    %broadcast_in_dim3A_20 = vector.broadcast %broadcast_in_dim3A_19 : f32 to vector<16xf32>
    %swap3A_21 = arith.constant 48 : index
    %swap3A_22 = tpu.vector_load %arg19[%swap3A_21] {strides = array<i32>} : memref<128xf32, #tpu.memory_space<vmem>>, vector<16xf32>,
    %swap3A_23 = vector.shape_cast %swap3A_22 : vector<16xf32> to vector<16xf32>
    %swap3A_24 = vector.shape_cast %broadcast_in_dim3A_20 : vector<16xf32> to vector<16xf32>
    tpu.vector_store %arg19[%swap3A_21], %swap3A_24 {strides = array<i32>} : memref<128xf32, #tpu.memory_space<vmem>>, vector<16xf32>,
    %broadcast_in_dim3A_25 = arith.constant 1.000000e+00 : f32
    %broadcast_in_dim3A_26 = vector.broadcast %broadcast_in_dim3A_25 : f32 to vector<16xf32>
    %swap3A_27 = arith.constant 64 : index
    %swap3A_28 = tpu.vector_load %arg19[%swap3A_27] {strides = array<i32>} : memref<128xf32, #tpu.memory_space<vmem>>, vector<16xf32>,
    %swap3A_29 = vector.shape_cast %swap3A_28 : vector<16xf32> to vector<16xf32>
    %swap3A_30 = vector.shape_cast %broadcast_in_dim3A_26 : vector<16xf32> to vector<16xf32>
    tpu.vector_store %arg19[%swap3A_27], %swap3A_30 {strides = array<i32>} : memref<128xf32, #tpu.memory_space<vmem>>, vector<16xf32>,
    %broadcast_in_dim3A_31 = arith.constant 1.000000e+00 : f32
    %broadcast_in_dim3A_32 = vector.broadcast %broadcast_in_dim3A_31 : f32 to vector<16xf32>
    %swap3A_33 = arith.constant 80 : index
    %swap3A_34 = tpu.vector_load %arg19[%swap3A_33] {strides = array<i32>} : memref<128xf32, #tpu.memory_space<vmem>>, vector<16xf32>,
    %swap3A_35 = vector.shape_cast %swap3A_34 : vector<16xf32> to vector<16xf32>
    %swap3A_36 = vector.shape_cast %broadcast_in_dim3A_32 : vector<16xf32> to vector<16xf32>
    tpu.vector_store %arg19[%swap3A_33], %swap3A_36 {strides = array<i32>} : memref<128xf32, #tpu.memory_space<vmem>>, vector<16xf32>,
    %broadcast_in_dim3A_37 = arith.constant 1.000000e+00 : f32
    %broadcast_in_dim3A_38 = vector.broadcast %broadcast_in_dim3A_37 : f32 to vector<16xf32>
    %swap3A_39 = arith.constant 96 : index
    %swap3A_40 = tpu.vector_load %arg19[%swap3A_39] {strides = array<i32>} : memref<128xf32, #tpu.memory_space<vmem>>, vector<16xf32>,
    %swap3A_41 = vector.shape_cast %swap3A_40 : vector<16xf32> to vector<16xf32>
    %swap3A_42 = vector.shape_cast %broadcast_in_dim3A_38 : vector<16xf32> to vector<16xf32>
    tpu.vector_store %arg19[%swap3A_39], %swap3A_42 {strides = array<i32>} : memref<128xf32, #tpu.memory_space<vmem>>, vector<16xf32>,
    %broadcast_in_dim3A_43 = arith.constant 1.000000e+00 : f32
    %broadcast_in_dim3A_44 = vector.broadcast %broadcast_in_dim3A_43 : f32 to vector<16xf32>
    %swap3A_45 = arith.constant 112 : index
    %swap3A_46 = tpu.vector_load %arg19[%swap3A_45] {strides = array<i32>} : memref<128xf32, #tpu.memory_space<vmem>>, vector<16xf32>,
    %swap3A_47 = vector.shape_cast %swap3A_46 : vector<16xf32> to vector<16xf32>
    %swap3A_48 = vector.shape_cast %broadcast_in_dim3A_44 : vector<16xf32> to vector<16xf32>
    tpu.vector_store %arg19[%swap3A_45], %swap3A_48 {strides = array<i32>} : memref<128xf32, #tpu.memory_space<vmem>>, vector<16xf32>,
    %broadcast_in_dim3A_49 = arith.constant 0.000000e+00 : f32
    %broadcast_in_dim3A_50 = vector.broadcast %broadcast_in_dim3A_49 : f32 to vector<16xf32>
    %swap3A_51 = arith.constant 0 : index
    %swap3A_52 = tpu.vector_load %arg20[%swap3A_51] {strides = array<i32>} : memref<640xf32, #tpu.memory_space<vmem>>, vector<16xf32>,
    %swap3A_53 = vector.shape_cast %swap3A_52 : vector<16xf32> to vector<16xf32>
    %swap3A_54 = vector.shape_cast %broadcast_in_dim3A_50 : vector<16xf32> to vector<16xf32>
    tpu.vector_store %arg20[%swap3A_51], %swap3A_54 {strides = array<i32>} : memref<640xf32, #tpu.memory_space<vmem>>, vector<16xf32>,
    %broadcast_in_dim3A_55 = arith.constant 0.000000e+00 : f32
    %broadcast_in_dim3A_56 = vector.broadcast %broadcast_in_dim3A_55 : f32 to vector<16xf32>
    %swap3A_57 = arith.constant 16 : index
    %swap3A_58 = tpu.vector_load %arg20[%swap3A_57] {strides = array<i32>} : memref<640xf32, #tpu.memory_space<vmem>>, vector<16xf32>,
    %swap3A_59 = vector.shape_cast %swap3A_58 : vector<16xf32> to vector<16xf32>
    %swap3A_60 = vector.shape_cast %broadcast_in_dim3A_56 : vector<16xf32> to vector<16xf32>
    tpu.vector_store %arg20[%swap3A_57], %swap3A_60 {strides = array<i32>} : memref<640xf32, #tpu.memory_space<vmem>>, vector<16xf32>,
    %broadcast_in_dim3A_61 = arith.constant 0.000000e+00 : f32
    %broadcast_in_dim3A_62 = vector.broadcast %broadcast_in_dim3A_61 : f32 to vector<16xf32>
    %swap3A_63 = arith.constant 32 : index
    %swap3A_64 = tpu.vector_load %arg20[%swap3A_63] {strides = array<i32>} : memref<640xf32, #tpu.memory_space<vmem>>, vector<16xf32>,
    %swap3A_65 = vector.shape_cast %swap3A_64 : vector<16xf32> to vector<16xf32>
    %swap3A_66 = vector.shape_cast %broadcast_in_dim3A_62 : vector<16xf32> to vector<16xf32>
    tpu.vector_store %arg20[%swap3A_63], %swap3A_66 {strides = array<i32>} : memref<640xf32, #tpu.memory_space<vmem>>, vector<16xf32>,
    %broadcast_in_dim3A_67 = arith.constant 0.000000e+00 : f32
    %broadcast_in_dim3A_68 = vector.broadcast %broadcast_in_dim3A_67 : f32 to vector<16xf32>
    %swap3A_69 = arith.constant 48 : index
    %swap3A_70 = tpu.vector_load %arg20[%swap3A_69] {strides = array<i32>} : memref<640xf32, #tpu.memory_space<vmem>>, vector<16xf32>,
    %swap3A_71 = vector.shape_cast %swap3A_70 : vector<16xf32> to vector<16xf32>
    %swap3A_72 = vector.shape_cast %broadcast_in_dim3A_68 : vector<16xf32> to vector<16xf32>
    tpu.vector_store %arg20[%swap3A_69], %swap3A_72 {strides = array<i32>} : memref<640xf32, #tpu.memory_space<vmem>>, vector<16xf32>,
    %broadcast_in_dim3A_73 = arith.constant 0.000000e+00 : f32
    %broadcast_in_dim3A_74 = vector.broadcast %broadcast_in_dim3A_73 : f32 to vector<16xf32>
    %swap3A_75 = arith.constant 64 : index
    %swap3A_76 = tpu.vector_load %arg20[%swap3A_75] {strides = array<i32>} : memref<640xf32, #tpu.memory_space<vmem>>, vector<16xf32>,
    %swap3A_77 = vector.shape_cast %swap3A_76 : vector<16xf32> to vector<16xf32>
    %swap3A_78 = vector.shape_cast %broadcast_in_dim3A_74 : vector<16xf32> to vector<16xf32>
    tpu.vector_store %arg20[%swap3A_75], %swap3A_78 {strides = array<i32>} : memref<640xf32, #tpu.memory_space<vmem>>, vector<16xf32>,
    %broadcast_in_dim3A_79 = arith.constant 0.000000e+00 : f32
    %broadcast_in_dim3A_80 = vector.broadcast %broadcast_in_dim3A_79 : f32 to vector<16xf32>
    %swap3A_81 = arith.constant 80 : index
    %swap3A_82 = tpu.vector_load %arg20[%swap3A_81] {strides = array<i32>} : memref<640xf32, #tpu.memory_space<vmem>>, vector<16xf32>,
    %swap3A_83 = vector.shape_cast %swap3A_82 : vector<16xf32> to vector<16xf32>
    %swap3A_84 = vector.shape_cast %broadcast_in_dim3A_80 : vector<16xf32> to vector<16xf32>
    tpu.vector_store %arg20[%swap3A_81], %swap3A_84 {strides = array<i32>} : memref<640xf32, #tpu.memory_space<vmem>>, vector<16xf32>,
    %broadcast_in_dim3A_85 = arith.constant 0.000000e+00 : f32
    %broadcast_in_dim3A_86 = vector.broadcast %broadcast_in_dim3A_85 : f32 to vector<16xf32>
    %swap3A_87 = arith.constant 96 : index
    %swap3A_88 = tpu.vector_load %arg20[%swap3A_87] {strides = array<i32>} : memref<640xf32, #tpu.memory_space<vmem>>, vector<16xf32>,
    %swap3A_89 = vector.shape_cast %swap3A_88 : vector<16xf32> to vector<16xf32>
    %swap3A_90 = vector.shape_cast %broadcast_in_dim3A_86 : vector<16xf32> to vector<16xf32>
    tpu.vector_store %arg20[%swap3A_87], %swap3A_90 {strides = array<i32>} : memref<640xf32, #tpu.memory_space<vmem>>, vector<16xf32>,
    %broadcast_in_dim3A_91 = arith.constant 0.000000e+00 : f32
    %broadcast_in_dim3A_92 = vector.broadcast %broadcast_in_dim3A_91 : f32 to vector<16xf32>
    %swap3A_93 = arith.constant 112 : index
    %swap3A_94 = tpu.vector_load %arg20[%swap3A_93] {strides = array<i32>} : memref<640xf32, #tpu.memory_space<vmem>>, vector<16xf32>,
    %swap3A_95 = vector.shape_cast %swap3A_94 : vector<16xf32> to vector<16xf32>
    %swap3A_96 = vector.shape_cast %broadcast_in_dim3A_92 : vector<16xf32> to vector<16xf32>
    tpu.vector_store %arg20[%swap3A_93], %swap3A_96 {strides = array<i32>} : memref<640xf32, #tpu.memory_space<vmem>>, vector<16xf32>,
    %broadcast_in_dim3A_97 = arith.constant 0.000000e+00 : f32
    %broadcast_in_dim3A_98 = vector.broadcast %broadcast_in_dim3A_97 : f32 to vector<16xf32>
    %swap3A_99 = arith.constant 128 : index
    %swap3A_100 = tpu.vector_load %arg20[%swap3A_99] {strides = array<i32>} : memref<640xf32, #tpu.memory_space<vmem>>, vector<16xf32>,
    %swap3A_101 = vector.shape_cast %swap3A_100 : vector<16xf32> to vector<16xf32>
    %swap3A_102 = vector.shape_cast %broadcast_in_dim3A_98 : vector<16xf32> to vector<16xf32>
    tpu.vector_store %arg20[%swap3A_99], %swap3A_102 {strides = array<i32>} : memref<640xf32, #tpu.memory_space<vmem>>, vector<16xf32>,
    %broadcast_in_dim3A_103 = arith.constant 0.000000e+00 : f32
    %broadcast_in_dim3A_104 = vector.broadcast %broadcast_in_dim3A_103 : f32 to vector<16xf32>
    %swap3A_105 = arith.constant 144 : index
    %swap3A_106 = tpu.vector_load %arg20[%swap3A_105] {strides = array<i32>} : memref<640xf32, #tpu.memory_space<vmem>>, vector<16xf32>,
    %swap3A_107 = vector.shape_cast %swap3A_106 : vector<16xf32> to vector<16xf32>
    %swap3A_108 = vector.shape_cast %broadcast_in_dim3A_104 : vector<16xf32> to vector<16xf32>
    tpu.vector_store %arg20[%swap3A_105], %swap3A_108 {strides = array<i32>} : memref<640xf32, #tpu.memory_space<vmem>>, vector<16xf32>,
    %broadcast_in_dim3A_109 = arith.constant 0.000000e+00 : f32
    %broadcast_in_dim3A_110 = vector.broadcast %broadcast_in_dim3A_109 : f32 to vector<16xf32>
    %swap3A_111 = arith.constant 160 : index
    %swap3A_112 = tpu.vector_load %arg20[%swap3A_111] {strides = array<i32>} : memref<640xf32, #tpu.memory_space<vmem>>, vector<16xf32>,
    %swap3A_113 = vector.shape_cast %swap3A_112 : vector<16xf32> to vector<16xf32>
    %swap3A_114 = vector.shape_cast %broadcast_in_dim3A_110 : vector<16xf32> to vector<16xf32>
    tpu.vector_store %arg20[%swap3A_111], %swap3A_114 {strides = array<i32>} : memref<640xf32, #tpu.memory_space<vmem>>, vector<16xf32>,
    %broadcast_in_dim3A_115 = arith.constant 0.000000e+00 : f32
    %broadcast_in_dim3A_116 = vector.broadcast %broadcast_in_dim3A_115 : f32 to vector<16xf32>
    %swap3A_117 = arith.constant 176 : index
    %swap3A_118 = tpu.vector_load %arg20[%swap3A_117] {strides = array<i32>} : memref<640xf32, #tpu.memory_space<vmem>>, vector<16xf32>,
    %swap3A_119 = vector.shape_cast %swap3A_118 : vector<16xf32> to vector<16xf32>
    %swap3A_120 = vector.shape_cast %broadcast_in_dim3A_116 : vector<16xf32> to vector<16xf32>
    tpu.vector_store %arg20[%swap3A_117], %swap3A_120 {strides = array<i32>} : memref<640xf32, #tpu.memory_space<vmem>>, vector<16xf32>,
    %broadcast_in_dim3A_121 = arith.constant 0.000000e+00 : f32
    %broadcast_in_dim3A_122 = vector.broadcast %broadcast_in_dim3A_121 : f32 to vector<16xf32>
    %swap3A_123 = arith.constant 192 : index
    %swap3A_124 = tpu.vector_load %arg20[%swap3A_123] {strides = array<i32>} : memref<640xf32, #tpu.memory_space<vmem>>, vector<16xf32>,
    %swap3A_125 = vector.shape_cast %swap3A_124 : vector<16xf32> to vector<16xf32>
    %swap3A_126 = vector.shape_cast %broadcast_in_dim3A_122 : vector<16xf32> to vector<16xf32>
    tpu.vector_store %arg20[%swap3A_123], %swap3A_126 {strides = array<i32>} : memref<640xf32, #tpu.memory_space<vmem>>, vector<16xf32>,
    %broadcast_in_dim3A_127 = arith.constant 0.000000e+00 : f32
    %broadcast_in_dim3A_128 = vector.broadcast %broadcast_in_dim3A_127 : f32 to vector<16xf32>
    %swap3A_129 = arith.constant 208 : index
    %swap3A_130 = tpu.vector_load %arg20[%swap3A_129] {strides = array<i32>} : memref<640xf32, #tpu.memory_space<vmem>>, vector<16xf32>,
    %swap3A_131 = vector.shape_cast %swap3A_130 : vector<16xf32> to vector<16xf32>
    %swap3A_132 = vector.shape_cast %broadcast_in_dim3A_128 : vector<16xf32> to vector<16xf32>
    tpu.vector_store %arg20[%swap3A_129], %swap3A_132 {strides = array<i32>} : memref<640xf32, #tpu.memory_space<vmem>>, vector<16xf32>,
    %broadcast_in_dim3A_133 = arith.constant 0.000000e+00 : f32
    %broadcast_in_dim3A_134 = vector.broadcast %broadcast_in_dim3A_133 : f32 to vector<16xf32>
    %swap3A_135 = arith.constant 224 : index
    %swap3A_136 = tpu.vector_load %arg20[%swap3A_135] {strides = array<i32>} : memref<640xf32, #tpu.memory_space<vmem>>, vector<16xf32>,
    %swap3A_137 = vector.shape_cast %swap3A_136 : vector<16xf32> to vector<16xf32>
    %swap3A_138 = vector.shape_cast %broadcast_in_dim3A_134 : vector<16xf32> to vector<16xf32>
    tpu.vector_store %arg20[%swap3A_135], %swap3A_138 {strides = array<i32>} : memref<640xf32, #tpu.memory_space<vmem>>, vector<16xf32>,
    %broadcast_in_dim3A_139 = arith.constant 0.000000e+00 : f32
    %broadcast_in_dim3A_140 = vector.broadcast %broadcast_in_dim3A_139 : f32 to vector<16xf32>
    %swap3A_141 = arith.constant 240 : index
    %swap3A_142 = tpu.vector_load %arg20[%swap3A_141] {strides = array<i32>} : memref<640xf32, #tpu.memory_space<vmem>>, vector<16xf32>,
    %swap3A_143 = vector.shape_cast %swap3A_142 : vector<16xf32> to vector<16xf32>
    %swap3A_144 = vector.shape_cast %broadcast_in_dim3A_140 : vector<16xf32> to vector<16xf32>
    tpu.vector_store %arg20[%swap3A_141], %swap3A_144 {strides = array<i32>} : memref<640xf32, #tpu.memory_space<vmem>>, vector<16xf32>,
    %broadcast_in_dim3A_145 = arith.constant 0.000000e+00 : f32
    %broadcast_in_dim3A_146 = vector.broadcast %broadcast_in_dim3A_145 : f32 to vector<16xf32>
    %swap3A_147 = arith.constant 256 : index
    %swap3A_148 = tpu.vector_load %arg20[%swap3A_147] {strides = array<i32>} : memref<640xf32, #tpu.memory_space<vmem>>, vector<16xf32>,
    %swap3A_149 = vector.shape_cast %swap3A_148 : vector<16xf32> to vector<16xf32>
    %swap3A_150 = vector.shape_cast %broadcast_in_dim3A_146 : vector<16xf32> to vector<16xf32>
    tpu.vector_store %arg20[%swap3A_147], %swap3A_150 {strides = array<i32>} : memref<640xf32, #tpu.memory_space<vmem>>, vector<16xf32>,
    %broadcast_in_dim3A_151 = arith.constant 0.000000e+00 : f32
    %broadcast_in_dim3A_152 = vector.broadcast %broadcast_in_dim3A_151 : f32 to vector<16xf32>
    %swap3A_153 = arith.constant 272 : index
    %swap3A_154 = tpu.vector_load %arg20[%swap3A_153] {strides = array<i32>} : memref<640xf32, #tpu.memory_space<vmem>>, vector<16xf32>,
    %swap3A_155 = vector.shape_cast %swap3A_154 : vector<16xf32> to vector<16xf32>
    %swap3A_156 = vector.shape_cast %broadcast_in_dim3A_152 : vector<16xf32> to vector<16xf32>
    tpu.vector_store %arg20[%swap3A_153], %swap3A_156 {strides = array<i32>} : memref<640xf32, #tpu.memory_space<vmem>>, vector<16xf32>,
    %broadcast_in_dim3A_157 = arith.constant 0.000000e+00 : f32
    %broadcast_in_dim3A_158 = vector.broadcast %broadcast_in_dim3A_157 : f32 to vector<16xf32>
    %swap3A_159 = arith.constant 288 : index
    %swap3A_160 = tpu.vector_load %arg20[%swap3A_159] {strides = array<i32>} : memref<640xf32, #tpu.memory_space<vmem>>, vector<16xf32>,
    %swap3A_161 = vector.shape_cast %swap3A_160 : vector<16xf32> to vector<16xf32>
    %swap3A_162 = vector.shape_cast %broadcast_in_dim3A_158 : vector<16xf32> to vector<16xf32>
    tpu.vector_store %arg20[%swap3A_159], %swap3A_162 {strides = array<i32>} : memref<640xf32, #tpu.memory_space<vmem>>, vector<16xf32>,
    %broadcast_in_dim3A_163 = arith.constant 0.000000e+00 : f32
    %broadcast_in_dim3A_164 = vector.broadcast %broadcast_in_dim3A_163 : f32 to vector<16xf32>
    %swap3A_165 = arith.constant 304 : index
    %swap3A_166 = tpu.vector_load %arg20[%swap3A_165] {strides = array<i32>} : memref<640xf32, #tpu.memory_space<vmem>>, vector<16xf32>,
    %swap3A_167 = vector.shape_cast %swap3A_166 : vector<16xf32> to vector<16xf32>
    %swap3A_168 = vector.shape_cast %broadcast_in_dim3A_164 : vector<16xf32> to vector<16xf32>
    tpu.vector_store %arg20[%swap3A_165], %swap3A_168 {strides = array<i32>} : memref<640xf32, #tpu.memory_space<vmem>>, vector<16xf32>,
    %broadcast_in_dim3A_169 = arith.constant 0.000000e+00 : f32
    %broadcast_in_dim3A_170 = vector.broadcast %broadcast_in_dim3A_169 : f32 to vector<16xf32>
    %swap3A_171 = arith.constant 320 : index
    %swap3A_172 = tpu.vector_load %arg20[%swap3A_171] {strides = array<i32>} : memref<640xf32, #tpu.memory_space<vmem>>, vector<16xf32>,
    %swap3A_173 = vector.shape_cast %swap3A_172 : vector<16xf32> to vector<16xf32>
    %swap3A_174 = vector.shape_cast %broadcast_in_dim3A_170 : vector<16xf32> to vector<16xf32>
    tpu.vector_store %arg20[%swap3A_171], %swap3A_174 {strides = array<i32>} : memref<640xf32, #tpu.memory_space<vmem>>, vector<16xf32>,
    %broadcast_in_dim3A_175 = arith.constant 0.000000e+00 : f32
    %broadcast_in_dim3A_176 = vector.broadcast %broadcast_in_dim3A_175 : f32 to vector<16xf32>
    %swap3A_177 = arith.constant 336 : index
    %swap3A_178 = tpu.vector_load %arg20[%swap3A_177] {strides = array<i32>} : memref<640xf32, #tpu.memory_space<vmem>>, vector<16xf32>,
    %swap3A_179 = vector.shape_cast %swap3A_178 : vector<16xf32> to vector<16xf32>
    %swap3A_180 = vector.shape_cast %broadcast_in_dim3A_176 : vector<16xf32> to vector<16xf32>
    tpu.vector_store %arg20[%swap3A_177], %swap3A_180 {strides = array<i32>} : memref<640xf32, #tpu.memory_space<vmem>>, vector<16xf32>,
    %broadcast_in_dim3A_181 = arith.constant 0.000000e+00 : f32
    %broadcast_in_dim3A_182 = vector.broadcast %broadcast_in_dim3A_181 : f32 to vector<16xf32>
    %swap3A_183 = arith.constant 352 : index
    %swap3A_184 = tpu.vector_load %arg20[%swap3A_183] {strides = array<i32>} : memref<640xf32, #tpu.memory_space<vmem>>, vector<16xf32>,
    %swap3A_185 = vector.shape_cast %swap3A_184 : vector<16xf32> to vector<16xf32>
    %swap3A_186 = vector.shape_cast %broadcast_in_dim3A_182 : vector<16xf32> to vector<16xf32>
    tpu.vector_store %arg20[%swap3A_183], %swap3A_186 {strides = array<i32>} : memref<640xf32, #tpu.memory_space<vmem>>, vector<16xf32>,
    %broadcast_in_dim3A_187 = arith.constant 0.000000e+00 : f32
    %broadcast_in_dim3A_188 = vector.broadcast %broadcast_in_dim3A_187 : f32 to vector<16xf32>
    %swap3A_189 = arith.constant 368 : index
    %swap3A_190 = tpu.vector_load %arg20[%swap3A_189] {strides = array<i32>} : memref<640xf32, #tpu.memory_space<vmem>>, vector<16xf32>,
    %swap3A_191 = vector.shape_cast %swap3A_190 : vector<16xf32> to vector<16xf32>
    %swap3A_192 = vector.shape_cast %broadcast_in_dim3A_188 : vector<16xf32> to vector<16xf32>
    tpu.vector_store %arg20[%swap3A_189], %swap3A_192 {strides = array<i32>} : memref<640xf32, #tpu.memory_space<vmem>>, vector<16xf32>,
    %broadcast_in_dim3A_193 = arith.constant 0.000000e+00 : f32
    %broadcast_in_dim3A_194 = vector.broadcast %broadcast_in_dim3A_193 : f32 to vector<16xf32>
    %swap3A_195 = arith.constant 384 : index
    %swap3A_196 = tpu.vector_load %arg20[%swap3A_195] {strides = array<i32>} : memref<640xf32, #tpu.memory_space<vmem>>, vector<16xf32>,
    %swap3A_197 = vector.shape_cast %swap3A_196 : vector<16xf32> to vector<16xf32>
    %swap3A_198 = vector.shape_cast %broadcast_in_dim3A_194 : vector<16xf32> to vector<16xf32>
    tpu.vector_store %arg20[%swap3A_195], %swap3A_198 {strides = array<i32>} : memref<640xf32, #tpu.memory_space<vmem>>, vector<16xf32>,
    %broadcast_in_dim3A_199 = arith.constant 0.000000e+00 : f32
    %broadcast_in_dim3A_200 = vector.broadcast %broadcast_in_dim3A_199 : f32 to vector<16xf32>
    %swap3A_201 = arith.constant 400 : index
    %swap3A_202 = tpu.vector_load %arg20[%swap3A_201] {strides = array<i32>} : memref<640xf32, #tpu.memory_space<vmem>>, vector<16xf32>,
    %swap3A_203 = vector.shape_cast %swap3A_202 : vector<16xf32> to vector<16xf32>
    %swap3A_204 = vector.shape_cast %broadcast_in_dim3A_200 : vector<16xf32> to vector<16xf32>
    tpu.vector_store %arg20[%swap3A_201], %swap3A_204 {strides = array<i32>} : memref<640xf32, #tpu.memory_space<vmem>>, vector<16xf32>,
    %broadcast_in_dim3A_205 = arith.constant 0.000000e+00 : f32
    %broadcast_in_dim3A_206 = vector.broadcast %broadcast_in_dim3A_205 : f32 to vector<16xf32>
    %swap3A_207 = arith.constant 416 : index
    %swap3A_208 = tpu.vector_load %arg20[%swap3A_207] {strides = array<i32>} : memref<640xf32, #tpu.memory_space<vmem>>, vector<16xf32>,
    %swap3A_209 = vector.shape_cast %swap3A_208 : vector<16xf32> to vector<16xf32>
    %swap3A_210 = vector.shape_cast %broadcast_in_dim3A_206 : vector<16xf32> to vector<16xf32>
    tpu.vector_store %arg20[%swap3A_207], %swap3A_210 {strides = array<i32>} : memref<640xf32, #tpu.memory_space<vmem>>, vector<16xf32>,
    %broadcast_in_dim3A_211 = arith.constant 0.000000e+00 : f32
    %broadcast_in_dim3A_212 = vector.broadcast %broadcast_in_dim3A_211 : f32 to vector<16xf32>
    %swap3A_213 = arith.constant 432 : index
    %swap3A_214 = tpu.vector_load %arg20[%swap3A_213] {strides = array<i32>} : memref<640xf32, #tpu.memory_space<vmem>>, vector<16xf32>,
    %swap3A_215 = vector.shape_cast %swap3A_214 : vector<16xf32> to vector<16xf32>
    %swap3A_216 = vector.shape_cast %broadcast_in_dim3A_212 : vector<16xf32> to vector<16xf32>
    tpu.vector_store %arg20[%swap3A_213], %swap3A_216 {strides = array<i32>} : memref<640xf32, #tpu.memory_space<vmem>>, vector<16xf32>,
    %broadcast_in_dim3A_217 = arith.constant 0.000000e+00 : f32
    %broadcast_in_dim3A_218 = vector.broadcast %broadcast_in_dim3A_217 : f32 to vector<16xf32>
    %swap3A_219 = arith.constant 448 : index
    %swap3A_220 = tpu.vector_load %arg20[%swap3A_219] {strides = array<i32>} : memref<640xf32, #tpu.memory_space<vmem>>, vector<16xf32>,
    %swap3A_221 = vector.shape_cast %swap3A_220 : vector<16xf32> to vector<16xf32>
    %swap3A_222 = vector.shape_cast %broadcast_in_dim3A_218 : vector<16xf32> to vector<16xf32>
    tpu.vector_store %arg20[%swap3A_219], %swap3A_222 {strides = array<i32>} : memref<640xf32, #tpu.memory_space<vmem>>, vector<16xf32>,
    %broadcast_in_dim3A_223 = arith.constant 0.000000e+00 : f32
    %broadcast_in_dim3A_224 = vector.broadcast %broadcast_in_dim3A_223 : f32 to vector<16xf32>
    %swap3A_225 = arith.constant 464 : index
    %swap3A_226 = tpu.vector_load %arg20[%swap3A_225] {strides = array<i32>} : memref<640xf32, #tpu.memory_space<vmem>>, vector<16xf32>,
    %swap3A_227 = vector.shape_cast %swap3A_226 : vector<16xf32> to vector<16xf32>
    %swap3A_228 = vector.shape_cast %broadcast_in_dim3A_224 : vector<16xf32> to vector<16xf32>
    tpu.vector_store %arg20[%swap3A_225], %swap3A_228 {strides = array<i32>} : memref<640xf32, #tpu.memory_space<vmem>>, vector<16xf32>,
    %broadcast_in_dim3A_229 = arith.constant 0.000000e+00 : f32
    %broadcast_in_dim3A_230 = vector.broadcast %broadcast_in_dim3A_229 : f32 to vector<16xf32>
    %swap3A_231 = arith.constant 480 : index
    %swap3A_232 = tpu.vector_load %arg20[%swap3A_231] {strides = array<i32>} : memref<640xf32, #tpu.memory_space<vmem>>, vector<16xf32>,
    %swap3A_233 = vector.shape_cast %swap3A_232 : vector<16xf32> to vector<16xf32>
    %swap3A_234 = vector.shape_cast %broadcast_in_dim3A_230 : vector<16xf32> to vector<16xf32>
    tpu.vector_store %arg20[%swap3A_231], %swap3A_234 {strides = array<i32>} : memref<640xf32, #tpu.memory_space<vmem>>, vector<16xf32>,
    %broadcast_in_dim3A_235 = arith.constant 0.000000e+00 : f32
    %broadcast_in_dim3A_236 = vector.broadcast %broadcast_in_dim3A_235 : f32 to vector<16xf32>
    %swap3A_237 = arith.constant 496 : index
    %swap3A_238 = tpu.vector_load %arg20[%swap3A_237] {strides = array<i32>} : memref<640xf32, #tpu.memory_space<vmem>>, vector<16xf32>,
    %swap3A_239 = vector.shape_cast %swap3A_238 : vector<16xf32> to vector<16xf32>
    %swap3A_240 = vector.shape_cast %broadcast_in_dim3A_236 : vector<16xf32> to vector<16xf32>
    tpu.vector_store %arg20[%swap3A_237], %swap3A_240 {strides = array<i32>} : memref<640xf32, #tpu.memory_space<vmem>>, vector<16xf32>,
    %broadcast_in_dim3A_241 = arith.constant 0.000000e+00 : f32
    %broadcast_in_dim3A_242 = vector.broadcast %broadcast_in_dim3A_241 : f32 to vector<16xf32>
    %swap3A_243 = arith.constant 512 : index
    %swap3A_244 = tpu.vector_load %arg20[%swap3A_243] {strides = array<i32>} : memref<640xf32, #tpu.memory_space<vmem>>, vector<16xf32>,
    %swap3A_245 = vector.shape_cast %swap3A_244 : vector<16xf32> to vector<16xf32>
    %swap3A_246 = vector.shape_cast %broadcast_in_dim3A_242 : vector<16xf32> to vector<16xf32>
    tpu.vector_store %arg20[%swap3A_243], %swap3A_246 {strides = array<i32>} : memref<640xf32, #tpu.memory_space<vmem>>, vector<16xf32>,
    %broadcast_in_dim3A_247 = arith.constant 0.000000e+00 : f32
    %broadcast_in_dim3A_248 = vector.broadcast %broadcast_in_dim3A_247 : f32 to vector<16xf32>
    %swap3A_249 = arith.constant 528 : index
    %swap3A_250 = tpu.vector_load %arg20[%swap3A_249] {strides = array<i32>} : memref<640xf32, #tpu.memory_space<vmem>>, vector<16xf32>,
    %swap3A_251 = vector.shape_cast %swap3A_250 : vector<16xf32> to vector<16xf32>
    %swap3A_252 = vector.shape_cast %broadcast_in_dim3A_248 : vector<16xf32> to vector<16xf32>
    tpu.vector_store %arg20[%swap3A_249], %swap3A_252 {strides = array<i32>} : memref<640xf32, #tpu.memory_space<vmem>>, vector<16xf32>,
    %broadcast_in_dim3A_253 = arith.constant 0.000000e+00 : f32
    %broadcast_in_dim3A_254 = vector.broadcast %broadcast_in_dim3A_253 : f32 to vector<16xf32>
    %swap3A_255 = arith.constant 544 : index
    %swap3A_256 = tpu.vector_load %arg20[%swap3A_255] {strides = array<i32>} : memref<640xf32, #tpu.memory_space<vmem>>, vector<16xf32>,
    %swap3A_257 = vector.shape_cast %swap3A_256 : vector<16xf32> to vector<16xf32>
    %swap3A_258 = vector.shape_cast %broadcast_in_dim3A_254 : vector<16xf32> to vector<16xf32>
    tpu.vector_store %arg20[%swap3A_255], %swap3A_258 {strides = array<i32>} : memref<640xf32, #tpu.memory_space<vmem>>, vector<16xf32>,
    %broadcast_in_dim3A_259 = arith.constant 0.000000e+00 : f32
    %broadcast_in_dim3A_260 = vector.broadcast %broadcast_in_dim3A_259 : f32 to vector<16xf32>
    %swap3A_261 = arith.constant 560 : index
    %swap3A_262 = tpu.vector_load %arg20[%swap3A_261] {strides = array<i32>} : memref<640xf32, #tpu.memory_space<vmem>>, vector<16xf32>,
    %swap3A_263 = vector.shape_cast %swap3A_262 : vector<16xf32> to vector<16xf32>
    %swap3A_264 = vector.shape_cast %broadcast_in_dim3A_260 : vector<16xf32> to vector<16xf32>
    tpu.vector_store %arg20[%swap3A_261], %swap3A_264 {strides = array<i32>} : memref<640xf32, #tpu.memory_space<vmem>>, vector<16xf32>,
    %broadcast_in_dim3A_265 = arith.constant 0.000000e+00 : f32
    %broadcast_in_dim3A_266 = vector.broadcast %broadcast_in_dim3A_265 : f32 to vector<16xf32>
    %swap3A_267 = arith.constant 576 : index
    %swap3A_268 = tpu.vector_load %arg20[%swap3A_267] {strides = array<i32>} : memref<640xf32, #tpu.memory_space<vmem>>, vector<16xf32>,
    %swap3A_269 = vector.shape_cast %swap3A_268 : vector<16xf32> to vector<16xf32>
    %swap3A_270 = vector.shape_cast %broadcast_in_dim3A_266 : vector<16xf32> to vector<16xf32>
    tpu.vector_store %arg20[%swap3A_267], %swap3A_270 {strides = array<i32>} : memref<640xf32, #tpu.memory_space<vmem>>, vector<16xf32>,
    %broadcast_in_dim3A_271 = arith.constant 0.000000e+00 : f32
    %broadcast_in_dim3A_272 = vector.broadcast %broadcast_in_dim3A_271 : f32 to vector<16xf32>
    %swap3A_273 = arith.constant 592 : index
    %swap3A_274 = tpu.vector_load %arg20[%swap3A_273] {strides = array<i32>} : memref<640xf32, #tpu.memory_space<vmem>>, vector<16xf32>,
    %swap3A_275 = vector.shape_cast %swap3A_274 : vector<16xf32> to vector<16xf32>
    %swap3A_276 = vector.shape_cast %broadcast_in_dim3A_272 : vector<16xf32> to vector<16xf32>
    tpu.vector_store %arg20[%swap3A_273], %swap3A_276 {strides = array<i32>} : memref<640xf32, #tpu.memory_space<vmem>>, vector<16xf32>,
    %broadcast_in_dim3A_277 = arith.constant 0.000000e+00 : f32
    %broadcast_in_dim3A_278 = vector.broadcast %broadcast_in_dim3A_277 : f32 to vector<16xf32>
    %swap3A_279 = arith.constant 608 : index
    %swap3A_280 = tpu.vector_load %arg20[%swap3A_279] {strides = array<i32>} : memref<640xf32, #tpu.memory_space<vmem>>, vector<16xf32>,
    %swap3A_281 = vector.shape_cast %swap3A_280 : vector<16xf32> to vector<16xf32>
    %swap3A_282 = vector.shape_cast %broadcast_in_dim3A_278 : vector<16xf32> to vector<16xf32>
    tpu.vector_store %arg20[%swap3A_279], %swap3A_282 {strides = array<i32>} : memref<640xf32, #tpu.memory_space<vmem>>, vector<16xf32>,
    %broadcast_in_dim3A_283 = arith.constant 0.000000e+00 : f32
    %broadcast_in_dim3A_284 = vector.broadcast %broadcast_in_dim3A_283 : f32 to vector<16xf32>
    %swap3A_285 = arith.constant 624 : index
    %swap3A_286 = tpu.vector_load %arg20[%swap3A_285] {strides = array<i32>} : memref<640xf32, #tpu.memory_space<vmem>>, vector<16xf32>,
    %swap3A_287 = vector.shape_cast %swap3A_286 : vector<16xf32> to vector<16xf32>
    %swap3A_288 = vector.shape_cast %broadcast_in_dim3A_284 : vector<16xf32> to vector<16xf32>
    tpu.vector_store %arg20[%swap3A_285], %swap3A_288 {strides = array<i32>} : memref<640xf32, #tpu.memory_space<vmem>>, vector<16xf32>,
    %scan3A = arith.constant 0 : i32
    %scan3A_289 = arith.constant 128 : i32
    %scan3A_290 = arith.addi %scan3A, %scan3A_289 : i32
    %scan3A_291 = arith.constant 1 : i32
    scf.for %scan3A_389 = %scan3A to %scan3A_290 step %scan3A_291  : i32 {
      %mul3A_390 = arith.constant 1 : i32
      %mul3A_391 = arith.muli %scan3A_389, %mul3A_390 : i32
      %add3A_392 = arith.constant 0 : i32
      %add3A_393 = arith.addi %add3A_392, %mul3A_391 : i32
      %broadcast_in_dim3A_394 = arith.constant 0.000000e+00 : f32
      %broadcast_in_dim3A_395 = vector.broadcast %broadcast_in_dim3A_394 : f32 to vector<16xf32>
      %swap3A_396 = arith.index_cast %add3A_393 : i32 to index
      %swap3A_397 = arith.constant 0 : index
      %swap3A_398 = tpu.vector_load %arg10[%swap3A_396, %swap3A_397] {strides = array<i32>} : memref<128x128xf32, #tpu.memory_space<vmem>>, vector<1x16xf32>,
      %swap3A_399 = vector.shape_cast %swap3A_398 : vector<1x16xf32> to vector<16xf32>
      %swap3A_400 = vector.shape_cast %broadcast_in_dim3A_395 : vector<16xf32> to vector<1x16xf32>
      tpu.vector_store %arg10[%swap3A_396, %swap3A_397], %swap3A_400 {strides = array<i32>} : memref<128x128xf32, #tpu.memory_space<vmem>>, vector<1x16xf32>,
      %broadcast_in_dim3A_401 = arith.constant 0.000000e+00 : f32
      %broadcast_in_dim3A_402 = vector.broadcast %broadcast_in_dim3A_401 : f32 to vector<16xf32>
      %swap3A_403 = arith.index_cast %add3A_393 : i32 to index
      %swap3A_404 = arith.constant 16 : index
      %swap3A_405 = tpu.vector_load %arg10[%swap3A_403, %swap3A_404] {strides = array<i32>} : memref<128x128xf32, #tpu.memory_space<vmem>>, vector<1x16xf32>,
      %swap3A_406 = vector.shape_cast %swap3A_405 : vector<1x16xf32> to vector<16xf32>
      %swap3A_407 = vector.shape_cast %broadcast_in_dim3A_402 : vector<16xf32> to vector<1x16xf32>
      tpu.vector_store %arg10[%swap3A_403, %swap3A_404], %swap3A_407 {strides = array<i32>} : memref<128x128xf32, #tpu.memory_space<vmem>>, vector<1x16xf32>,
      %broadcast_in_dim3A_408 = arith.constant 0.000000e+00 : f32
      %broadcast_in_dim3A_409 = vector.broadcast %broadcast_in_dim3A_408 : f32 to vector<16xf32>
      %swap3A_410 = arith.index_cast %add3A_393 : i32 to index
      %swap3A_411 = arith.constant 32 : index
      %swap3A_412 = tpu.vector_load %arg10[%swap3A_410, %swap3A_411] {strides = array<i32>} : memref<128x128xf32, #tpu.memory_space<vmem>>, vector<1x16xf32>,
      %swap3A_413 = vector.shape_cast %swap3A_412 : vector<1x16xf32> to vector<16xf32>
      %swap3A_414 = vector.shape_cast %broadcast_in_dim3A_409 : vector<16xf32> to vector<1x16xf32>
      tpu.vector_store %arg10[%swap3A_410, %swap3A_411], %swap3A_414 {strides = array<i32>} : memref<128x128xf32, #tpu.memory_space<vmem>>, vector<1x16xf32>,
      %broadcast_in_dim3A_415 = arith.constant 0.000000e+00 : f32
      %broadcast_in_dim3A_416 = vector.broadcast %broadcast_in_dim3A_415 : f32 to vector<16xf32>
      %swap3A_417 = arith.index_cast %add3A_393 : i32 to index
      %swap3A_418 = arith.constant 48 : index
      %swap3A_419 = tpu.vector_load %arg10[%swap3A_417, %swap3A_418] {strides = array<i32>} : memref<128x128xf32, #tpu.memory_space<vmem>>, vector<1x16xf32>,
      %swap3A_420 = vector.shape_cast %swap3A_419 : vector<1x16xf32> to vector<16xf32>
      %swap3A_421 = vector.shape_cast %broadcast_in_dim3A_416 : vector<16xf32> to vector<1x16xf32>
      tpu.vector_store %arg10[%swap3A_417, %swap3A_418], %swap3A_421 {strides = array<i32>} : memref<128x128xf32, #tpu.memory_space<vmem>>, vector<1x16xf32>,
      %broadcast_in_dim3A_422 = arith.constant 0.000000e+00 : f32
      %broadcast_in_dim3A_423 = vector.broadcast %broadcast_in_dim3A_422 : f32 to vector<16xf32>
      %swap3A_424 = arith.index_cast %add3A_393 : i32 to index
      %swap3A_425 = arith.constant 64 : index
      %swap3A_426 = tpu.vector_load %arg10[%swap3A_424, %swap3A_425] {strides = array<i32>} : memref<128x128xf32, #tpu.memory_space<vmem>>, vector<1x16xf32>,
      %swap3A_427 = vector.shape_cast %swap3A_426 : vector<1x16xf32> to vector<16xf32>
      %swap3A_428 = vector.shape_cast %broadcast_in_dim3A_423 : vector<16xf32> to vector<1x16xf32>
      tpu.vector_store %arg10[%swap3A_424, %swap3A_425], %swap3A_428 {strides = array<i32>} : memref<128x128xf32, #tpu.memory_space<vmem>>, vector<1x16xf32>,
      %broadcast_in_dim3A_429 = arith.constant 0.000000e+00 : f32
      %broadcast_in_dim3A_430 = vector.broadcast %broadcast_in_dim3A_429 : f32 to vector<16xf32>
      %swap3A_431 = arith.index_cast %add3A_393 : i32 to index
      %swap3A_432 = arith.constant 80 : index
      %swap3A_433 = tpu.vector_load %arg10[%swap3A_431, %swap3A_432] {strides = array<i32>} : memref<128x128xf32, #tpu.memory_space<vmem>>, vector<1x16xf32>,
      %swap3A_434 = vector.shape_cast %swap3A_433 : vector<1x16xf32> to vector<16xf32>
      %swap3A_435 = vector.shape_cast %broadcast_in_dim3A_430 : vector<16xf32> to vector<1x16xf32>
      tpu.vector_store %arg10[%swap3A_431, %swap3A_432], %swap3A_435 {strides = array<i32>} : memref<128x128xf32, #tpu.memory_space<vmem>>, vector<1x16xf32>,
      %broadcast_in_dim3A_436 = arith.constant 0.000000e+00 : f32
      %broadcast_in_dim3A_437 = vector.broadcast %broadcast_in_dim3A_436 : f32 to vector<16xf32>
      %swap3A_438 = arith.index_cast %add3A_393 : i32 to index
      %swap3A_439 = arith.constant 96 : index
      %swap3A_440 = tpu.vector_load %arg10[%swap3A_438, %swap3A_439] {strides = array<i32>} : memref<128x128xf32, #tpu.memory_space<vmem>>, vector<1x16xf32>,
      %swap3A_441 = vector.shape_cast %swap3A_440 : vector<1x16xf32> to vector<16xf32>
      %swap3A_442 = vector.shape_cast %broadcast_in_dim3A_437 : vector<16xf32> to vector<1x16xf32>
      tpu.vector_store %arg10[%swap3A_438, %swap3A_439], %swap3A_442 {strides = array<i32>} : memref<128x128xf32, #tpu.memory_space<vmem>>, vector<1x16xf32>,
      %broadcast_in_dim3A_443 = arith.constant 0.000000e+00 : f32
      %broadcast_in_dim3A_444 = vector.broadcast %broadcast_in_dim3A_443 : f32 to vector<16xf32>
      %swap3A_445 = arith.index_cast %add3A_393 : i32 to index
      %swap3A_446 = arith.constant 112 : index
      %swap3A_447 = tpu.vector_load %arg10[%swap3A_445, %swap3A_446] {strides = array<i32>} : memref<128x128xf32, #tpu.memory_space<vmem>>, vector<1x16xf32>,
      %swap3A_448 = vector.shape_cast %swap3A_447 : vector<1x16xf32> to vector<16xf32>
      %swap3A_449 = vector.shape_cast %broadcast_in_dim3A_444 : vector<16xf32> to vector<1x16xf32>
      tpu.vector_store %arg10[%swap3A_445, %swap3A_446], %swap3A_449 {strides = array<i32>} : memref<128x128xf32, #tpu.memory_space<vmem>>, vector<1x16xf32>,
    }
    %scan3A_292 = arith.constant 128 : i32
    %add3A_293 = arith.constant 0 : i32
    %add3A_294 = arith.addi %mul3A_2, %add3A_293 : i32
    %multiple_of3A = tpu.assume_multiple %add3A_294, 8 : i32
    %dma_start3A = arith.constant 0 : i32
    %dma_start3A_295 = tpu.memref_slice %arg3[%multiple_of3A] : memref<640000xi32, #tpu.memory_space<hbm>> -> memref<128xi32, #tpu.memory_space<hbm>>
    %dma_start3A_296 = tpu.memref_slice %arg22[%dma_start3A] : memref<2x!tpu.dma_semaphore, #tpu.memory_space<semaphore_mem>> -> memref<1x!tpu.dma_semaphore, #tpu.memory_space<semaphore_mem>>
    %dma_start3A_297 = tpu.memref_squeeze %dma_start3A_296 : memref<1x!tpu.dma_semaphore, #tpu.memory_space<semaphore_mem>> -> memref<!tpu.dma_semaphore, #tpu.memory_space<semaphore_mem>>
    %dma_start3A_298 = tpu.memref_slice %arg3[%multiple_of3A] : memref<640000xi32, #tpu.memory_space<hbm>> -> memref<128xi32, #tpu.memory_space<hbm>>
    tpu.enqueue_dma source(%dma_start3A_298 : memref<128xi32, #tpu.memory_space<hbm>>) target(%arg12 : memref<128xi32, #tpu.memory_space<vmem>>) target_semaphore(%dma_start3A_297 : memref<!tpu.dma_semaphore, #tpu.memory_space<semaphore_mem>>)
    %add3A_299 = arith.constant 320000 : i32
    %add3A_300 = arith.addi %add3A_299, %multiple_of3A : i32
    %dma_start3A_301 = arith.constant 0 : i32
    %dma_start3A_302 = tpu.memref_slice %arg3[%add3A_300] : memref<640000xi32, #tpu.memory_space<hbm>> -> memref<128xi32, #tpu.memory_space<hbm>>
    %dma_start3A_303 = tpu.memref_slice %arg22[%dma_start3A_301] : memref<2x!tpu.dma_semaphore, #tpu.memory_space<semaphore_mem>> -> memref<1x!tpu.dma_semaphore, #tpu.memory_space<semaphore_mem>>
    %dma_start3A_304 = tpu.memref_squeeze %dma_start3A_303 : memref<1x!tpu.dma_semaphore, #tpu.memory_space<semaphore_mem>> -> memref<!tpu.dma_semaphore, #tpu.memory_space<semaphore_mem>>
    %dma_start3A_305 = tpu.memref_slice %arg3[%add3A_300] : memref<640000xi32, #tpu.memory_space<hbm>> -> memref<128xi32, #tpu.memory_space<hbm>>
    tpu.enqueue_dma source(%dma_start3A_305 : memref<128xi32, #tpu.memory_space<hbm>>) target(%arg14 : memref<128xi32, #tpu.memory_space<vmem>>) target_semaphore(%dma_start3A_304 : memref<!tpu.dma_semaphore, #tpu.memory_space<semaphore_mem>>)
    %add3A_306 = arith.constant 128 : i32
    %add3A_307 = arith.addi %mul3A_2, %add3A_306 : i32
    %multiple_of3A_308 = tpu.assume_multiple %add3A_307, 8 : i32
    %dma_start3A_309 = arith.constant 1 : i32
    %dma_start3A_310 = tpu.memref_slice %arg3[%multiple_of3A_308] : memref<640000xi32, #tpu.memory_space<hbm>> -> memref<128xi32, #tpu.memory_space<hbm>>
    %dma_start3A_311 = tpu.memref_slice %arg22[%dma_start3A_309] : memref<2x!tpu.dma_semaphore, #tpu.memory_space<semaphore_mem>> -> memref<1x!tpu.dma_semaphore, #tpu.memory_space<semaphore_mem>>
    %dma_start3A_312 = tpu.memref_squeeze %dma_start3A_311 : memref<1x!tpu.dma_semaphore, #tpu.memory_space<semaphore_mem>> -> memref<!tpu.dma_semaphore, #tpu.memory_space<semaphore_mem>>
    %dma_start3A_313 = tpu.memref_slice %arg3[%multiple_of3A_308] : memref<640000xi32, #tpu.memory_space<hbm>> -> memref<128xi32, #tpu.memory_space<hbm>>
    tpu.enqueue_dma source(%dma_start3A_313 : memref<128xi32, #tpu.memory_space<hbm>>) target(%arg13 : memref<128xi32, #tpu.memory_space<vmem>>) target_semaphore(%dma_start3A_312 : memref<!tpu.dma_semaphore, #tpu.memory_space<semaphore_mem>>)
    %add3A_314 = arith.constant 320000 : i32
    %add3A_315 = arith.addi %add3A_314, %multiple_of3A_308 : i32
    %dma_start3A_316 = arith.constant 1 : i32
    %dma_start3A_317 = tpu.memref_slice %arg3[%add3A_315] : memref<640000xi32, #tpu.memory_space<hbm>> -> memref<128xi32, #tpu.memory_space<hbm>>
    %dma_start3A_318 = tpu.memref_slice %arg22[%dma_start3A_316] : memref<2x!tpu.dma_semaphore, #tpu.memory_space<semaphore_mem>> -> memref<1x!tpu.dma_semaphore, #tpu.memory_space<semaphore_mem>>
    %dma_start3A_319 = tpu.memref_squeeze %dma_start3A_318 : memref<1x!tpu.dma_semaphore, #tpu.memory_space<semaphore_mem>> -> memref<!tpu.dma_semaphore, #tpu.memory_space<semaphore_mem>>
    %dma_start3A_320 = tpu.memref_slice %arg3[%add3A_315] : memref<640000xi32, #tpu.memory_space<hbm>> -> memref<128xi32, #tpu.memory_space<hbm>>
    tpu.enqueue_dma source(%dma_start3A_320 : memref<128xi32, #tpu.memory_space<hbm>>) target(%arg15 : memref<128xi32, #tpu.memory_space<vmem>>) target_semaphore(%dma_start3A_319 : memref<!tpu.dma_semaphore, #tpu.memory_space<semaphore_mem>>)
    %mul3A_321 = arith.constant 624 : i32
    %mul3A_322 = arith.muli %arg1, %mul3A_321 : i32
    %add3A_323 = arith.constant 0 : i32
    %add3A_324 = arith.addi %mul3A_322, %add3A_323 : i32
    "tpu.region"() ({
      %run_scoped3A = tpu.sem_alloc : memref<!tpu.dma_semaphore, #tpu.memory_space<semaphore_mem>>
      %dma_start3A_389 = arith.constant 0 : i32
      %dma_start3A_390 = arith.constant 0 : i32
      %dma_start3A_391 = tpu.memref_slice %arg10[%dma_start3A_389, %dma_start3A_390] : memref<128x128xf32, #tpu.memory_space<vmem>> -> memref<128x128xf32, #tpu.memory_space<vmem>>
      %dma_start3A_392 = arith.constant 0 : i32
      %dma_start3A_393 = tpu.memref_slice %arg8[%add3A_324, %dma_start3A_392] : memref<10000x128xf32, #tpu.memory_space<vmem_shared>> -> memref<128x128xf32, #tpu.memory_space<vmem_shared>>
      %dma_start3A_394 = arith.constant 0 : i32
      %dma_start3A_395 = tpu.memref_slice %arg8[%add3A_324, %dma_start3A_394] : memref<10000x128xf32, #tpu.memory_space<vmem_shared>> -> memref<128x128xf32, #tpu.memory_space<vmem_shared>>
      %dma_start3A_396 = arith.constant 0 : i32
      %dma_start3A_397 = arith.constant 0 : i32
      %dma_start3A_398 = tpu.memref_slice %arg10[%dma_start3A_396, %dma_start3A_397] : memref<128x128xf32, #tpu.memory_space<vmem>> -> memref<128x128xf32, #tpu.memory_space<vmem>>
      tpu.enqueue_dma source(%dma_start3A_398 : memref<128x128xf32, #tpu.memory_space<vmem>>) target(%dma_start3A_395 : memref<128x128xf32, #tpu.memory_space<vmem_shared>>) target_semaphore(%run_scoped3A : memref<!tpu.dma_semaphore, #tpu.memory_space<semaphore_mem>>)
      %dma_wait3A_399 = arith.constant 0 : i32
      %dma_wait3A_400 = arith.constant 0 : i32
      %dma_wait3A_401 = tpu.memref_slice %arg10[%dma_wait3A_399, %dma_wait3A_400] : memref<128x128xf32, #tpu.memory_space<vmem>> -> memref<128x128xf32, #tpu.memory_space<vmem>>
      %dma_wait3A_402 = arith.constant 0 : i32
      %dma_wait3A_403 = tpu.memref_slice %arg8[%add3A_324, %dma_wait3A_402] : memref<10000x128xf32, #tpu.memory_space<vmem_shared>> -> memref<128x128xf32, #tpu.memory_space<vmem_shared>>
      %dma_wait3A_404 = arith.constant 0 : i32
      %dma_wait3A_405 = tpu.memref_slice %arg8[%add3A_324, %dma_wait3A_404] : memref<10000x128xf32, #tpu.memory_space<vmem_shared>> -> memref<128x128xf32, #tpu.memory_space<vmem_shared>>
      %dma_wait3A_406 = arith.constant 0 : i32
      %dma_wait3A_407 = arith.constant 0 : i32
      %dma_wait3A_408 = tpu.memref_slice %arg10[%dma_wait3A_406, %dma_wait3A_407] : memref<128x128xf32, #tpu.memory_space<vmem>> -> memref<128x128xf32, #tpu.memory_space<vmem>>
      tpu.wait_dma2 semaphore(%run_scoped3A : memref<!tpu.dma_semaphore, #tpu.memory_space<semaphore_mem>>) src(%dma_wait3A_408 : memref<128x128xf32, #tpu.memory_space<vmem>>) dst(%dma_wait3A_405 : memref<128x128xf32, #tpu.memory_space<vmem_shared>>)
      tpu.yield
    }) : () -> ()
    %mul3A_325 = arith.constant 624 : i32
    %mul3A_326 = arith.muli %arg1, %mul3A_325 : i32
    %add3A_327 = arith.constant 128 : i32
    %add3A_328 = arith.addi %mul3A_326, %add3A_327 : i32
    "tpu.region"() ({
      %run_scoped3A = tpu.sem_alloc : memref<!tpu.dma_semaphore, #tpu.memory_space<semaphore_mem>>
      %dma_start3A_389 = arith.constant 0 : i32
      %dma_start3A_390 = arith.constant 0 : i32
      %dma_start3A_391 = tpu.memref_slice %arg10[%dma_start3A_389, %dma_start3A_390] : memref<128x128xf32, #tpu.memory_space<vmem>> -> memref<128x128xf32, #tpu.memory_space<vmem>>
      %dma_start3A_392 = arith.constant 0 : i32
      %dma_start3A_393 = tpu.memref_slice %arg8[%add3A_328, %dma_start3A_392] : memref<10000x128xf32, #tpu.memory_space<vmem_shared>> -> memref<128x128xf32, #tpu.memory_space<vmem_shared>>
      %dma_start3A_394 = arith.constant 0 : i32
      %dma_start3A_395 = tpu.memref_slice %arg8[%add3A_328, %dma_start3A_394] : memref<10000x128xf32, #tpu.memory_space<vmem_shared>> -> memref<128x128xf32, #tpu.memory_space<vmem_shared>>
      %dma_start3A_396 = arith.constant 0 : i32
      %dma_start3A_397 = arith.constant 0 : i32
      %dma_start3A_398 = tpu.memref_slice %arg10[%dma_start3A_396, %dma_start3A_397] : memref<128x128xf32, #tpu.memory_space<vmem>> -> memref<128x128xf32, #tpu.memory_space<vmem>>
      tpu.enqueue_dma source(%dma_start3A_398 : memref<128x128xf32, #tpu.memory_space<vmem>>) target(%dma_start3A_395 : memref<128x128xf32, #tpu.memory_space<vmem_shared>>) target_semaphore(%run_scoped3A : memref<!tpu.dma_semaphore, #tpu.memory_space<semaphore_mem>>)
      %dma_wait3A_399 = arith.constant 0 : i32
      %dma_wait3A_400 = arith.constant 0 : i32
      %dma_wait3A_401 = tpu.memref_slice %arg10[%dma_wait3A_399, %dma_wait3A_400] : memref<128x128xf32, #tpu.memory_space<vmem>> -> memref<128x128xf32, #tpu.memory_space<vmem>>
      %dma_wait3A_402 = arith.constant 0 : i32
      %dma_wait3A_403 = tpu.memref_slice %arg8[%add3A_328, %dma_wait3A_402] : memref<10000x128xf32, #tpu.memory_space<vmem_shared>> -> memref<128x128xf32, #tpu.memory_space<vmem_shared>>
      %dma_wait3A_404 = arith.constant 0 : i32
      %dma_wait3A_405 = tpu.memref_slice %arg8[%add3A_328, %dma_wait3A_404] : memref<10000x128xf32, #tpu.memory_space<vmem_shared>> -> memref<128x128xf32, #tpu.memory_space<vmem_shared>>
      %dma_wait3A_406 = arith.constant 0 : i32
      %dma_wait3A_407 = arith.constant 0 : i32
      %dma_wait3A_408 = tpu.memref_slice %arg10[%dma_wait3A_406, %dma_wait3A_407] : memref<128x128xf32, #tpu.memory_space<vmem>> -> memref<128x128xf32, #tpu.memory_space<vmem>>
      tpu.wait_dma2 semaphore(%run_scoped3A : memref<!tpu.dma_semaphore, #tpu.memory_space<semaphore_mem>>) src(%dma_wait3A_408 : memref<128x128xf32, #tpu.memory_space<vmem>>) dst(%dma_wait3A_405 : memref<128x128xf32, #tpu.memory_space<vmem_shared>>)
      tpu.yield
    }) : () -> ()
    %mul3A_329 = arith.constant 624 : i32
    %mul3A_330 = arith.muli %arg1, %mul3A_329 : i32
    %add3A_331 = arith.constant 256 : i32
    %add3A_332 = arith.addi %mul3A_330, %add3A_331 : i32
    "tpu.region"() ({
      %run_scoped3A = tpu.sem_alloc : memref<!tpu.dma_semaphore, #tpu.memory_space<semaphore_mem>>
      %dma_start3A_389 = arith.constant 0 : i32
      %dma_start3A_390 = arith.constant 0 : i32
      %dma_start3A_391 = tpu.memref_slice %arg10[%dma_start3A_389, %dma_start3A_390] : memref<128x128xf32, #tpu.memory_space<vmem>> -> memref<128x128xf32, #tpu.memory_space<vmem>>
      %dma_start3A_392 = arith.constant 0 : i32
      %dma_start3A_393 = tpu.memref_slice %arg8[%add3A_332, %dma_start3A_392] : memref<10000x128xf32, #tpu.memory_space<vmem_shared>> -> memref<128x128xf32, #tpu.memory_space<vmem_shared>>
      %dma_start3A_394 = arith.constant 0 : i32
      %dma_start3A_395 = tpu.memref_slice %arg8[%add3A_332, %dma_start3A_394] : memref<10000x128xf32, #tpu.memory_space<vmem_shared>> -> memref<128x128xf32, #tpu.memory_space<vmem_shared>>
      %dma_start3A_396 = arith.constant 0 : i32
      %dma_start3A_397 = arith.constant 0 : i32
      %dma_start3A_398 = tpu.memref_slice %arg10[%dma_start3A_396, %dma_start3A_397] : memref<128x128xf32, #tpu.memory_space<vmem>> -> memref<128x128xf32, #tpu.memory_space<vmem>>
      tpu.enqueue_dma source(%dma_start3A_398 : memref<128x128xf32, #tpu.memory_space<vmem>>) target(%dma_start3A_395 : memref<128x128xf32, #tpu.memory_space<vmem_shared>>) target_semaphore(%run_scoped3A : memref<!tpu.dma_semaphore, #tpu.memory_space<semaphore_mem>>)
      %dma_wait3A_399 = arith.constant 0 : i32
      %dma_wait3A_400 = arith.constant 0 : i32
      %dma_wait3A_401 = tpu.memref_slice %arg10[%dma_wait3A_399, %dma_wait3A_400] : memref<128x128xf32, #tpu.memory_space<vmem>> -> memref<128x128xf32, #tpu.memory_space<vmem>>
      %dma_wait3A_402 = arith.constant 0 : i32
      %dma_wait3A_403 = tpu.memref_slice %arg8[%add3A_332, %dma_wait3A_402] : memref<10000x128xf32, #tpu.memory_space<vmem_shared>> -> memref<128x128xf32, #tpu.memory_space<vmem_shared>>
      %dma_wait3A_404 = arith.constant 0 : i32
      %dma_wait3A_405 = tpu.memref_slice %arg8[%add3A_332, %dma_wait3A_404] : memref<10000x128xf32, #tpu.memory_space<vmem_shared>> -> memref<128x128xf32, #tpu.memory_space<vmem_shared>>
      %dma_wait3A_406 = arith.constant 0 : i32
      %dma_wait3A_407 = arith.constant 0 : i32
      %dma_wait3A_408 = tpu.memref_slice %arg10[%dma_wait3A_406, %dma_wait3A_407] : memref<128x128xf32, #tpu.memory_space<vmem>> -> memref<128x128xf32, #tpu.memory_space<vmem>>
      tpu.wait_dma2 semaphore(%run_scoped3A : memref<!tpu.dma_semaphore, #tpu.memory_space<semaphore_mem>>) src(%dma_wait3A_408 : memref<128x128xf32, #tpu.memory_space<vmem>>) dst(%dma_wait3A_405 : memref<128x128xf32, #tpu.memory_space<vmem_shared>>)
      tpu.yield
    }) : () -> ()
    %mul3A_333 = arith.constant 624 : i32
    %mul3A_334 = arith.muli %arg1, %mul3A_333 : i32
    %add3A_335 = arith.constant 384 : i32
    %add3A_336 = arith.addi %mul3A_334, %add3A_335 : i32
    "tpu.region"() ({
      %run_scoped3A = tpu.sem_alloc : memref<!tpu.dma_semaphore, #tpu.memory_space<semaphore_mem>>
      %dma_start3A_389 = arith.constant 0 : i32
      %dma_start3A_390 = arith.constant 0 : i32
      %dma_start3A_391 = tpu.memref_slice %arg10[%dma_start3A_389, %dma_start3A_390] : memref<128x128xf32, #tpu.memory_space<vmem>> -> memref<128x128xf32, #tpu.memory_space<vmem>>
      %dma_start3A_392 = arith.constant 0 : i32
      %dma_start3A_393 = tpu.memref_slice %arg8[%add3A_336, %dma_start3A_392] : memref<10000x128xf32, #tpu.memory_space<vmem_shared>> -> memref<128x128xf32, #tpu.memory_space<vmem_shared>>
      %dma_start3A_394 = arith.constant 0 : i32
      %dma_start3A_395 = tpu.memref_slice %arg8[%add3A_336, %dma_start3A_394] : memref<10000x128xf32, #tpu.memory_space<vmem_shared>> -> memref<128x128xf32, #tpu.memory_space<vmem_shared>>
      %dma_start3A_396 = arith.constant 0 : i32
      %dma_start3A_397 = arith.constant 0 : i32
      %dma_start3A_398 = tpu.memref_slice %arg10[%dma_start3A_396, %dma_start3A_397] : memref<128x128xf32, #tpu.memory_space<vmem>> -> memref<128x128xf32, #tpu.memory_space<vmem>>
      tpu.enqueue_dma source(%dma_start3A_398 : memref<128x128xf32, #tpu.memory_space<vmem>>) target(%dma_start3A_395 : memref<128x128xf32, #tpu.memory_space<vmem_shared>>) target_semaphore(%run_scoped3A : memref<!tpu.dma_semaphore, #tpu.memory_space<semaphore_mem>>)
      %dma_wait3A_399 = arith.constant 0 : i32
      %dma_wait3A_400 = arith.constant 0 : i32
      %dma_wait3A_401 = tpu.memref_slice %arg10[%dma_wait3A_399, %dma_wait3A_400] : memref<128x128xf32, #tpu.memory_space<vmem>> -> memref<128x128xf32, #tpu.memory_space<vmem>>
      %dma_wait3A_402 = arith.constant 0 : i32
      %dma_wait3A_403 = tpu.memref_slice %arg8[%add3A_336, %dma_wait3A_402] : memref<10000x128xf32, #tpu.memory_space<vmem_shared>> -> memref<128x128xf32, #tpu.memory_space<vmem_shared>>
      %dma_wait3A_404 = arith.constant 0 : i32
      %dma_wait3A_405 = tpu.memref_slice %arg8[%add3A_336, %dma_wait3A_404] : memref<10000x128xf32, #tpu.memory_space<vmem_shared>> -> memref<128x128xf32, #tpu.memory_space<vmem_shared>>
      %dma_wait3A_406 = arith.constant 0 : i32
      %dma_wait3A_407 = arith.constant 0 : i32
      %dma_wait3A_408 = tpu.memref_slice %arg10[%dma_wait3A_406, %dma_wait3A_407] : memref<128x128xf32, #tpu.memory_space<vmem>> -> memref<128x128xf32, #tpu.memory_space<vmem>>
      tpu.wait_dma2 semaphore(%run_scoped3A : memref<!tpu.dma_semaphore, #tpu.memory_space<semaphore_mem>>) src(%dma_wait3A_408 : memref<128x128xf32, #tpu.memory_space<vmem>>) dst(%dma_wait3A_405 : memref<128x128xf32, #tpu.memory_space<vmem_shared>>)
      tpu.yield
    }) : () -> ()
    %mul3A_337 = arith.constant 624 : i32
    %mul3A_338 = arith.muli %arg1, %mul3A_337 : i32
    %add3A_339 = arith.constant 512 : i32
    %add3A_340 = arith.addi %mul3A_338, %add3A_339 : i32
    "tpu.region"() ({
      %run_scoped3A = tpu.sem_alloc : memref<!tpu.dma_semaphore, #tpu.memory_space<semaphore_mem>>
      %dma_start3A_389 = arith.constant 0 : i32
      %dma_start3A_390 = arith.constant 0 : i32
      %dma_start3A_391 = tpu.memref_slice %arg10[%dma_start3A_389, %dma_start3A_390] : memref<128x128xf32, #tpu.memory_space<vmem>> -> memref<112x128xf32, #tpu.memory_space<vmem>>
      %dma_start3A_392 = arith.constant 0 : i32
      %dma_start3A_393 = tpu.memref_slice %arg8[%add3A_340, %dma_start3A_392] : memref<10000x128xf32, #tpu.memory_space<vmem_shared>> -> memref<112x128xf32, #tpu.memory_space<vmem_shared>>
      %dma_start3A_394 = arith.constant 0 : i32
      %dma_start3A_395 = tpu.memref_slice %arg8[%add3A_340, %dma_start3A_394] : memref<10000x128xf32, #tpu.memory_space<vmem_shared>> -> memref<112x128xf32, #tpu.memory_space<vmem_shared>>
      %dma_start3A_396 = arith.constant 0 : i32
      %dma_start3A_397 = arith.constant 0 : i32
      %dma_start3A_398 = tpu.memref_slice %arg10[%dma_start3A_396, %dma_start3A_397] : memref<128x128xf32, #tpu.memory_space<vmem>> -> memref<112x128xf32, #tpu.memory_space<vmem>>
      tpu.enqueue_dma source(%dma_start3A_398 : memref<112x128xf32, #tpu.memory_space<vmem>>) target(%dma_start3A_395 : memref<112x128xf32, #tpu.memory_space<vmem_shared>>) target_semaphore(%run_scoped3A : memref<!tpu.dma_semaphore, #tpu.memory_space<semaphore_mem>>)
      %dma_wait3A_399 = arith.constant 0 : i32
      %dma_wait3A_400 = arith.constant 0 : i32
      %dma_wait3A_401 = tpu.memref_slice %arg10[%dma_wait3A_399, %dma_wait3A_400] : memref<128x128xf32, #tpu.memory_space<vmem>> -> memref<112x128xf32, #tpu.memory_space<vmem>>
      %dma_wait3A_402 = arith.constant 0 : i32
      %dma_wait3A_403 = tpu.memref_slice %arg8[%add3A_340, %dma_wait3A_402] : memref<10000x128xf32, #tpu.memory_space<vmem_shared>> -> memref<112x128xf32, #tpu.memory_space<vmem_shared>>
      %dma_wait3A_404 = arith.constant 0 : i32
      %dma_wait3A_405 = tpu.memref_slice %arg8[%add3A_340, %dma_wait3A_404] : memref<10000x128xf32, #tpu.memory_space<vmem_shared>> -> memref<112x128xf32, #tpu.memory_space<vmem_shared>>
      %dma_wait3A_406 = arith.constant 0 : i32
      %dma_wait3A_407 = arith.constant 0 : i32
      %dma_wait3A_408 = tpu.memref_slice %arg10[%dma_wait3A_406, %dma_wait3A_407] : memref<128x128xf32, #tpu.memory_space<vmem>> -> memref<112x128xf32, #tpu.memory_space<vmem>>
      tpu.wait_dma2 semaphore(%run_scoped3A : memref<!tpu.dma_semaphore, #tpu.memory_space<semaphore_mem>>) src(%dma_wait3A_408 : memref<112x128xf32, #tpu.memory_space<vmem>>) dst(%dma_wait3A_405 : memref<112x128xf32, #tpu.memory_space<vmem_shared>>)
      tpu.yield
    }) : () -> ()
    %eq3A = arith.constant 15 : i32
    %eq3A_341 = arith.cmpi eq, %arg1, %eq3A : i32
    %convert_element_type3A = arith.extui %eq3A_341 : i1 to i32
    %cond3A = arith.constant 0 : i32
    %cond3A_342 = arith.cmpi ne, %convert_element_type3A, %cond3A : i32
    scf.if %cond3A_342 {
      "tpu.region"() ({
        %run_scoped3A = tpu.sem_alloc : memref<!tpu.dma_semaphore, #tpu.memory_space<semaphore_mem>>
        %dma_start3A_389 = arith.constant 0 : i32
        %dma_start3A_390 = arith.constant 0 : i32
        %dma_start3A_391 = tpu.memref_slice %arg10[%dma_start3A_389, %dma_start3A_390] : memref<128x128xf32, #tpu.memory_space<vmem>> -> memref<16x128xf32, #tpu.memory_space<vmem>>
        %dma_start3A_392 = arith.constant 9984 : i32
        %dma_start3A_393 = arith.constant 0 : i32
        %dma_start3A_394 = tpu.memref_slice %arg8[%dma_start3A_392, %dma_start3A_393] : memref<10000x128xf32, #tpu.memory_space<vmem_shared>> -> memref<16x128xf32, #tpu.memory_space<vmem_shared>>
        %dma_start3A_395 = arith.constant 9984 : i32
        %dma_start3A_396 = arith.constant 0 : i32
        %dma_start3A_397 = tpu.memref_slice %arg8[%dma_start3A_395, %dma_start3A_396] : memref<10000x128xf32, #tpu.memory_space<vmem_shared>> -> memref<16x128xf32, #tpu.memory_space<vmem_shared>>
        %dma_start3A_398 = arith.constant 0 : i32
        %dma_start3A_399 = arith.constant 0 : i32
        %dma_start3A_400 = tpu.memref_slice %arg10[%dma_start3A_398, %dma_start3A_399] : memref<128x128xf32, #tpu.memory_space<vmem>> -> memref<16x128xf32, #tpu.memory_space<vmem>>
        tpu.enqueue_dma source(%dma_start3A_400 : memref<16x128xf32, #tpu.memory_space<vmem>>) target(%dma_start3A_397 : memref<16x128xf32, #tpu.memory_space<vmem_shared>>) target_semaphore(%run_scoped3A : memref<!tpu.dma_semaphore, #tpu.memory_space<semaphore_mem>>)
        %dma_wait3A_401 = arith.constant 0 : i32
        %dma_wait3A_402 = arith.constant 0 : i32
        %dma_wait3A_403 = tpu.memref_slice %arg10[%dma_wait3A_401, %dma_wait3A_402] : memref<128x128xf32, #tpu.memory_space<vmem>> -> memref<16x128xf32, #tpu.memory_space<vmem>>
        %dma_wait3A_404 = arith.constant 9984 : i32
        %dma_wait3A_405 = arith.constant 0 : i32
        %dma_wait3A_406 = tpu.memref_slice %arg8[%dma_wait3A_404, %dma_wait3A_405] : memref<10000x128xf32, #tpu.memory_space<vmem_shared>> -> memref<16x128xf32, #tpu.memory_space<vmem_shared>>
        %dma_wait3A_407 = arith.constant 9984 : i32
        %dma_wait3A_408 = arith.constant 0 : i32
        %dma_wait3A_409 = tpu.memref_slice %arg8[%dma_wait3A_407, %dma_wait3A_408] : memref<10000x128xf32, #tpu.memory_space<vmem_shared>> -> memref<16x128xf32, #tpu.memory_space<vmem_shared>>
        %dma_wait3A_410 = arith.constant 0 : i32
        %dma_wait3A_411 = arith.constant 0 : i32
        %dma_wait3A_412 = tpu.memref_slice %arg10[%dma_wait3A_410, %dma_wait3A_411] : memref<128x128xf32, #tpu.memory_space<vmem>> -> memref<16x128xf32, #tpu.memory_space<vmem>>
        tpu.wait_dma2 semaphore(%run_scoped3A : memref<!tpu.dma_semaphore, #tpu.memory_space<semaphore_mem>>) src(%dma_wait3A_412 : memref<16x128xf32, #tpu.memory_space<vmem>>) dst(%dma_wait3A_409 : memref<16x128xf32, #tpu.memory_space<vmem_shared>>)
        tpu.yield
      }) : () -> ()
    } else {
    }
    %mul3A_343 = arith.constant 640 : i32
    %mul3A_344 = arith.muli %arg1, %mul3A_343 : i32
    "tpu.region"() ({
      %run_scoped3A = tpu.sem_alloc : memref<!tpu.dma_semaphore, #tpu.memory_space<semaphore_mem>>
      %dma_start3A_389 = tpu.memref_slice %arg9[%mul3A_344] : memref<10240xf32, #tpu.memory_space<vmem_shared>> -> memref<640xf32, #tpu.memory_space<vmem_shared>>
      %dma_start3A_390 = tpu.memref_slice %arg9[%mul3A_344] : memref<10240xf32, #tpu.memory_space<vmem_shared>> -> memref<640xf32, #tpu.memory_space<vmem_shared>>
      tpu.enqueue_dma source(%arg20 : memref<640xf32, #tpu.memory_space<vmem>>) target(%dma_start3A_390 : memref<640xf32, #tpu.memory_space<vmem_shared>>) target_semaphore(%run_scoped3A : memref<!tpu.dma_semaphore, #tpu.memory_space<semaphore_mem>>)
      %dma_wait3A_391 = tpu.memref_slice %arg9[%mul3A_344] : memref<10240xf32, #tpu.memory_space<vmem_shared>> -> memref<640xf32, #tpu.memory_space<vmem_shared>>
      %dma_wait3A_392 = tpu.memref_slice %arg9[%mul3A_344] : memref<10240xf32, #tpu.memory_space<vmem_shared>> -> memref<640xf32, #tpu.memory_space<vmem_shared>>
      tpu.wait_dma2 semaphore(%run_scoped3A : memref<!tpu.dma_semaphore, #tpu.memory_space<semaphore_mem>>) src(%arg20 : memref<640xf32, #tpu.memory_space<vmem>>) dst(%dma_wait3A_392 : memref<640xf32, #tpu.memory_space<vmem_shared>>)
      tpu.yield
    }) : () -> ()
    %dma_wait3A = arith.constant 0 : i32
    %dma_wait3A_345 = arith.constant 0 : i32
    %dma_wait3A_346 = tpu.memref_slice %arg3[%dma_wait3A_345] : memref<640000xi32, #tpu.memory_space<hbm>> -> memref<128xi32, #tpu.memory_space<hbm>>
    %dma_wait3A_347 = tpu.memref_slice %arg22[%dma_wait3A] : memref<2x!tpu.dma_semaphore, #tpu.memory_space<semaphore_mem>> -> memref<1x!tpu.dma_semaphore, #tpu.memory_space<semaphore_mem>>
    %dma_wait3A_348 = tpu.memref_squeeze %dma_wait3A_347 : memref<1x!tpu.dma_semaphore, #tpu.memory_space<semaphore_mem>> -> memref<!tpu.dma_semaphore, #tpu.memory_space<semaphore_mem>>
    %dma_wait3A_349 = arith.constant 0 : i32
    %dma_wait3A_350 = tpu.memref_slice %arg3[%dma_wait3A_349] : memref<640000xi32, #tpu.memory_space<hbm>> -> memref<128xi32, #tpu.memory_space<hbm>>
    tpu.wait_dma2 semaphore(%dma_wait3A_348 : memref<!tpu.dma_semaphore, #tpu.memory_space<semaphore_mem>>) src(%dma_wait3A_350 : memref<128xi32, #tpu.memory_space<hbm>>) dst(%arg12 : memref<128xi32, #tpu.memory_space<vmem>>)
    %dma_wait3A_351 = arith.constant 0 : i32
    %dma_wait3A_352 = arith.constant 0 : i32
    %dma_wait3A_353 = tpu.memref_slice %arg3[%dma_wait3A_352] : memref<640000xi32, #tpu.memory_space<hbm>> -> memref<128xi32, #tpu.memory_space<hbm>>
    %dma_wait3A_354 = tpu.memref_slice %arg22[%dma_wait3A_351] : memref<2x!tpu.dma_semaphore, #tpu.memory_space<semaphore_mem>> -> memref<1x!tpu.dma_semaphore, #tpu.memory_space<semaphore_mem>>
    %dma_wait3A_355 = tpu.memref_squeeze %dma_wait3A_354 : memref<1x!tpu.dma_semaphore, #tpu.memory_space<semaphore_mem>> -> memref<!tpu.dma_semaphore, #tpu.memory_space<semaphore_mem>>
    %dma_wait3A_356 = arith.constant 0 : i32
    %dma_wait3A_357 = tpu.memref_slice %arg3[%dma_wait3A_356] : memref<640000xi32, #tpu.memory_space<hbm>> -> memref<128xi32, #tpu.memory_space<hbm>>
    tpu.wait_dma2 semaphore(%dma_wait3A_355 : memref<!tpu.dma_semaphore, #tpu.memory_space<semaphore_mem>>) src(%dma_wait3A_357 : memref<128xi32, #tpu.memory_space<hbm>>) dst(%arg14 : memref<128xi32, #tpu.memory_space<vmem>>)
    %dma_start3A_358 = arith.constant 0 : i32
    %dma_start3A_359 = arith.constant 0 : i32
    %dma_start3A_360 = arith.constant 0 : i32
    %dma_start3A_361 = tpu.memref_slice %arg2[%dma_start3A_359, %dma_start3A_360] : memref<10000x128xf32, #tpu.memory_space<hbm>> -> memref<10000x128xf32, #tpu.memory_space<hbm>>
    %dma_start3A_362 = tpu.memref_slice %arg21[%dma_start3A_358] : memref<2x!tpu.dma_semaphore, #tpu.memory_space<semaphore_mem>> -> memref<1x!tpu.dma_semaphore, #tpu.memory_space<semaphore_mem>>
    %dma_start3A_363 = tpu.memref_squeeze %dma_start3A_362 : memref<1x!tpu.dma_semaphore, #tpu.memory_space<semaphore_mem>> -> memref<!tpu.dma_semaphore, #tpu.memory_space<semaphore_mem>>
    tpu.enqueue_indirect_dma source(%dma_start3A_361 : memref<10000x128xf32, #tpu.memory_space<hbm>>) target(%arg10 : memref<128x128xf32, #tpu.memory_space<vmem>>) offsets(%arg12 : memref<128xi32, #tpu.memory_space<vmem>>) semaphore(%dma_start3A_363 : memref<!tpu.dma_semaphore, #tpu.memory_space<semaphore_mem>>)
    %barrier3A = arith.constant 0 : index
    tpu.barrier barrier_id(%barrier3A)
    %scan3A_364 = arith.constant 0 : i32
    %scan3A_365 = arith.constant 39 : i32
    %scan3A_366 = arith.addi %scan3A_364, %scan3A_365 : i32
    %scan3A_367 = arith.constant 1 : i32
    scf.for %scan3A_389 = %scan3A_364 to %scan3A_366 step %scan3A_367  : i32 {
      %mul3A_390 = arith.constant 2 : i32
      %mul3A_391 = arith.muli %scan3A_389, %mul3A_390 : i32
      %add3A_392 = arith.constant 0 : i32
      %add3A_393 = arith.addi %add3A_392, %mul3A_391 : i32
      %add3A_394 = arith.constant 0 : i32
      %add3A_395 = arith.addi %add3A_393, %add3A_394 : i32
      %add3A_396 = arith.constant 1 : i32
      %add3A_397 = arith.addi %add3A_395, %add3A_396 : i32
      %lt3A = arith.constant 78 : i32
      %lt3A_398 = arith.cmpi slt, %add3A_397, %lt3A : i32
      %convert_element_type3A_399 = arith.extui %lt3A_398 : i1 to i32
      %cond3A_400 = arith.constant 0 : i32
      %cond3A_401 = arith.cmpi ne, %convert_element_type3A_399, %cond3A_400 : i32
      scf.if %cond3A_401 {
        %dma_wait3A_457 = arith.constant 1 : i32
        %dma_wait3A_458 = arith.constant 0 : i32
        %dma_wait3A_459 = tpu.memref_slice %arg3[%dma_wait3A_458] : memref<640000xi32, #tpu.memory_space<hbm>> -> memref<128xi32, #tpu.memory_space<hbm>>
        %dma_wait3A_460 = tpu.memref_slice %arg22[%dma_wait3A_457] : memref<2x!tpu.dma_semaphore, #tpu.memory_space<semaphore_mem>> -> memref<1x!tpu.dma_semaphore, #tpu.memory_space<semaphore_mem>>
        %dma_wait3A_461 = tpu.memref_squeeze %dma_wait3A_460 : memref<1x!tpu.dma_semaphore, #tpu.memory_space<semaphore_mem>> -> memref<!tpu.dma_semaphore, #tpu.memory_space<semaphore_mem>>
        %dma_wait3A_462 = arith.constant 0 : i32
        %dma_wait3A_463 = tpu.memref_slice %arg3[%dma_wait3A_462] : memref<640000xi32, #tpu.memory_space<hbm>> -> memref<128xi32, #tpu.memory_space<hbm>>
        tpu.wait_dma2 semaphore(%dma_wait3A_461 : memref<!tpu.dma_semaphore, #tpu.memory_space<semaphore_mem>>) src(%dma_wait3A_463 : memref<128xi32, #tpu.memory_space<hbm>>) dst(%arg13 : memref<128xi32, #tpu.memory_space<vmem>>)
        %dma_wait3A_464 = arith.constant 1 : i32
        %dma_wait3A_465 = arith.constant 0 : i32
        %dma_wait3A_466 = tpu.memref_slice %arg3[%dma_wait3A_465] : memref<640000xi32, #tpu.memory_space<hbm>> -> memref<128xi32, #tpu.memory_space<hbm>>
        %dma_wait3A_467 = tpu.memref_slice %arg22[%dma_wait3A_464] : memref<2x!tpu.dma_semaphore, #tpu.memory_space<semaphore_mem>> -> memref<1x!tpu.dma_semaphore, #tpu.memory_space<semaphore_mem>>
        %dma_wait3A_468 = tpu.memref_squeeze %dma_wait3A_467 : memref<1x!tpu.dma_semaphore, #tpu.memory_space<semaphore_mem>> -> memref<!tpu.dma_semaphore, #tpu.memory_space<semaphore_mem>>
        %dma_wait3A_469 = arith.constant 0 : i32
        %dma_wait3A_470 = tpu.memref_slice %arg3[%dma_wait3A_469] : memref<640000xi32, #tpu.memory_space<hbm>> -> memref<128xi32, #tpu.memory_space<hbm>>
        tpu.wait_dma2 semaphore(%dma_wait3A_468 : memref<!tpu.dma_semaphore, #tpu.memory_space<semaphore_mem>>) src(%dma_wait3A_470 : memref<128xi32, #tpu.memory_space<hbm>>) dst(%arg15 : memref<128xi32, #tpu.memory_space<vmem>>)
        %dma_start3A_471 = arith.constant 1 : i32
        %dma_start3A_472 = arith.constant 0 : i32
        %dma_start3A_473 = arith.constant 0 : i32
        %dma_start3A_474 = tpu.memref_slice %arg2[%dma_start3A_472, %dma_start3A_473] : memref<10000x128xf32, #tpu.memory_space<hbm>> -> memref<10000x128xf32, #tpu.memory_space<hbm>>
        %dma_start3A_475 = tpu.memref_slice %arg21[%dma_start3A_471] : memref<2x!tpu.dma_semaphore, #tpu.memory_space<semaphore_mem>> -> memref<1x!tpu.dma_semaphore, #tpu.memory_space<semaphore_mem>>
        %dma_start3A_476 = tpu.memref_squeeze %dma_start3A_475 : memref<1x!tpu.dma_semaphore, #tpu.memory_space<semaphore_mem>> -> memref<!tpu.dma_semaphore, #tpu.memory_space<semaphore_mem>>
        tpu.enqueue_indirect_dma source(%dma_start3A_474 : memref<10000x128xf32, #tpu.memory_space<hbm>>) target(%arg11 : memref<128x128xf32, #tpu.memory_space<vmem>>) offsets(%arg13 : memref<128xi32, #tpu.memory_space<vmem>>) semaphore(%dma_start3A_476 : memref<!tpu.dma_semaphore, #tpu.memory_space<semaphore_mem>>)
      } else {
      }
      %dma_wait3A_402 = arith.constant 0 : i32
      %dma_wait3A_403 = arith.constant 0 : i32
      %dma_wait3A_404 = arith.constant 0 : i32
      %dma_wait3A_405 = tpu.memref_slice %arg2[%dma_wait3A_403, %dma_wait3A_404] : memref<10000x128xf32, #tpu.memory_space<hbm>> -> memref<10000x128xf32, #tpu.memory_space<hbm>>
      %dma_wait3A_406 = tpu.memref_slice %arg21[%dma_wait3A_402] : memref<2x!tpu.dma_semaphore, #tpu.memory_space<semaphore_mem>> -> memref<1x!tpu.dma_semaphore, #tpu.memory_space<semaphore_mem>>
      %dma_wait3A_407 = tpu.memref_squeeze %dma_wait3A_406 : memref<1x!tpu.dma_semaphore, #tpu.memory_space<semaphore_mem>> -> memref<!tpu.dma_semaphore, #tpu.memory_space<semaphore_mem>>
      tpu.wait_indirect_dma semaphore(%dma_wait3A_407 : memref<!tpu.dma_semaphore, #tpu.memory_space<semaphore_mem>>) src(%dma_wait3A_405 : memref<10000x128xf32, #tpu.memory_space<hbm>>) dst(%arg10 : memref<128x128xf32, #tpu.memory_space<vmem>>)
      %add3A_408 = arith.constant 2 : i32
      %add3A_409 = arith.addi %add3A_395, %add3A_408 : i32
      %lt3A_410 = arith.constant 78 : i32
      %lt3A_411 = arith.cmpi slt, %add3A_409, %lt3A_410 : i32
      %convert_element_type3A_412 = arith.extui %lt3A_411 : i1 to i32
      %cond3A_413 = arith.constant 0 : i32
      %cond3A_414 = arith.cmpi ne, %convert_element_type3A_412, %cond3A_413 : i32
      scf.if %cond3A_414 {
        %add3A_457 = arith.constant 2 : i32
        %add3A_458 = arith.addi %add3A_395, %add3A_457 : i32
        %mul3A_459 = arith.constant 128 : i32
        %mul3A_460 = arith.muli %add3A_458, %mul3A_459 : i32
        %add3A_461 = arith.addi %mul3A_2, %mul3A_460 : i32
        %multiple_of3A_462 = tpu.assume_multiple %add3A_461, 8 : i32
        %dma_start3A_463 = arith.constant 0 : i32
        %dma_start3A_464 = tpu.memref_slice %arg3[%multiple_of3A_462] : memref<640000xi32, #tpu.memory_space<hbm>> -> memref<128xi32, #tpu.memory_space<hbm>>
        %dma_start3A_465 = tpu.memref_slice %arg22[%dma_start3A_463] : memref<2x!tpu.dma_semaphore, #tpu.memory_space<semaphore_mem>> -> memref<1x!tpu.dma_semaphore, #tpu.memory_space<semaphore_mem>>
        %dma_start3A_466 = tpu.memref_squeeze %dma_start3A_465 : memref<1x!tpu.dma_semaphore, #tpu.memory_space<semaphore_mem>> -> memref<!tpu.dma_semaphore, #tpu.memory_space<semaphore_mem>>
        %dma_start3A_467 = tpu.memref_slice %arg3[%multiple_of3A_462] : memref<640000xi32, #tpu.memory_space<hbm>> -> memref<128xi32, #tpu.memory_space<hbm>>
        tpu.enqueue_dma source(%dma_start3A_467 : memref<128xi32, #tpu.memory_space<hbm>>) target(%arg12 : memref<128xi32, #tpu.memory_space<vmem>>) target_semaphore(%dma_start3A_466 : memref<!tpu.dma_semaphore, #tpu.memory_space<semaphore_mem>>)
        %add3A_468 = arith.constant 320000 : i32
        %add3A_469 = arith.addi %add3A_468, %multiple_of3A_462 : i32
        %dma_start3A_470 = arith.constant 0 : i32
        %dma_start3A_471 = tpu.memref_slice %arg3[%add3A_469] : memref<640000xi32, #tpu.memory_space<hbm>> -> memref<128xi32, #tpu.memory_space<hbm>>
        %dma_start3A_472 = tpu.memref_slice %arg22[%dma_start3A_470] : memref<2x!tpu.dma_semaphore, #tpu.memory_space<semaphore_mem>> -> memref<1x!tpu.dma_semaphore, #tpu.memory_space<semaphore_mem>>
        %dma_start3A_473 = tpu.memref_squeeze %dma_start3A_472 : memref<1x!tpu.dma_semaphore, #tpu.memory_space<semaphore_mem>> -> memref<!tpu.dma_semaphore, #tpu.memory_space<semaphore_mem>>
        %dma_start3A_474 = tpu.memref_slice %arg3[%add3A_469] : memref<640000xi32, #tpu.memory_space<hbm>> -> memref<128xi32, #tpu.memory_space<hbm>>
        tpu.enqueue_dma source(%dma_start3A_474 : memref<128xi32, #tpu.memory_space<hbm>>) target(%arg14 : memref<128xi32, #tpu.memory_space<vmem>>) target_semaphore(%dma_start3A_473 : memref<!tpu.dma_semaphore, #tpu.memory_space<semaphore_mem>>)
      } else {
      }
      %dma_start3A_415 = arith.constant 0 : i32
      %dma_start3A_416 = arith.constant 0 : i32
      %dma_start3A_417 = tpu.memref_slice %arg8[%dma_start3A_415, %dma_start3A_416] : memref<10000x128xf32, #tpu.memory_space<vmem_shared>> -> memref<10000x128xf32, #tpu.memory_space<vmem_shared>>
      tpu.enqueue_indirect_dma source(%arg10 : memref<128x128xf32, #tpu.memory_space<vmem>>) target(%dma_start3A_417 : memref<10000x128xf32, #tpu.memory_space<vmem_shared>>) offsets(%arg14 : memref<128xi32, #tpu.memory_space<vmem>>) semaphore(%arg23 : memref<!tpu.dma_semaphore, #tpu.memory_space<semaphore_mem>>) {add = true}
      %dma_start3A_418 = arith.constant 0 : i32
      %dma_start3A_419 = tpu.memref_slice %arg9[%dma_start3A_418] : memref<10240xf32, #tpu.memory_space<vmem_shared>> -> memref<10240xf32, #tpu.memory_space<vmem_shared>>
      tpu.enqueue_indirect_dma source(%arg19 : memref<128xf32, #tpu.memory_space<vmem>>) target(%dma_start3A_419 : memref<10240xf32, #tpu.memory_space<vmem_shared>>) offsets(%arg14 : memref<128xi32, #tpu.memory_space<vmem>>) semaphore(%arg24 : memref<!tpu.dma_semaphore, #tpu.memory_space<semaphore_mem>>) {add = true}
      %dma_wait3A_420 = arith.constant 0 : i32
      %dma_wait3A_421 = arith.constant 0 : i32
      %dma_wait3A_422 = tpu.memref_slice %arg8[%dma_wait3A_420, %dma_wait3A_421] : memref<10000x128xf32, #tpu.memory_space<vmem_shared>> -> memref<10000x128xf32, #tpu.memory_space<vmem_shared>>
      tpu.wait_indirect_dma semaphore(%arg23 : memref<!tpu.dma_semaphore, #tpu.memory_space<semaphore_mem>>) src(%arg10 : memref<128x128xf32, #tpu.memory_space<vmem>>) dst(%dma_wait3A_422 : memref<10000x128xf32, #tpu.memory_space<vmem_shared>>)
      %dma_wait3A_423 = arith.constant 0 : i32
      %dma_wait3A_424 = tpu.memref_slice %arg9[%dma_wait3A_423] : memref<10240xf32, #tpu.memory_space<vmem_shared>> -> memref<10240xf32, #tpu.memory_space<vmem_shared>>
      tpu.wait_indirect_dma semaphore(%arg24 : memref<!tpu.dma_semaphore, #tpu.memory_space<semaphore_mem>>) src(%arg19 : memref<128xf32, #tpu.memory_space<vmem>>) dst(%dma_wait3A_424 : memref<10240xf32, #tpu.memory_space<vmem_shared>>)
      %add3A_425 = arith.constant 1 : i32
      %add3A_426 = arith.addi %add3A_393, %add3A_425 : i32
      %add3A_427 = arith.constant 1 : i32
      %add3A_428 = arith.addi %add3A_426, %add3A_427 : i32
      %lt3A_429 = arith.constant 78 : i32
      %lt3A_430 = arith.cmpi slt, %add3A_428, %lt3A_429 : i32
      %convert_element_type3A_431 = arith.extui %lt3A_430 : i1 to i32
      %cond3A_432 = arith.constant 0 : i32
      %cond3A_433 = arith.cmpi ne, %convert_element_type3A_431, %cond3A_432 : i32
      scf.if %cond3A_433 {
        %dma_wait3A_457 = arith.constant 0 : i32
        %dma_wait3A_458 = arith.constant 0 : i32
        %dma_wait3A_459 = tpu.memref_slice %arg3[%dma_wait3A_458] : memref<640000xi32, #tpu.memory_space<hbm>> -> memref<128xi32, #tpu.memory_space<hbm>>
        %dma_wait3A_460 = tpu.memref_slice %arg22[%dma_wait3A_457] : memref<2x!tpu.dma_semaphore, #tpu.memory_space<semaphore_mem>> -> memref<1x!tpu.dma_semaphore, #tpu.memory_space<semaphore_mem>>
        %dma_wait3A_461 = tpu.memref_squeeze %dma_wait3A_460 : memref<1x!tpu.dma_semaphore, #tpu.memory_space<semaphore_mem>> -> memref<!tpu.dma_semaphore, #tpu.memory_space<semaphore_mem>>
        %dma_wait3A_462 = arith.constant 0 : i32
        %dma_wait3A_463 = tpu.memref_slice %arg3[%dma_wait3A_462] : memref<640000xi32, #tpu.memory_space<hbm>> -> memref<128xi32, #tpu.memory_space<hbm>>
        tpu.wait_dma2 semaphore(%dma_wait3A_461 : memref<!tpu.dma_semaphore, #tpu.memory_space<semaphore_mem>>) src(%dma_wait3A_463 : memref<128xi32, #tpu.memory_space<hbm>>) dst(%arg12 : memref<128xi32, #tpu.memory_space<vmem>>)
        %dma_wait3A_464 = arith.constant 0 : i32
        %dma_wait3A_465 = arith.constant 0 : i32
        %dma_wait3A_466 = tpu.memref_slice %arg3[%dma_wait3A_465] : memref<640000xi32, #tpu.memory_space<hbm>> -> memref<128xi32, #tpu.memory_space<hbm>>
        %dma_wait3A_467 = tpu.memref_slice %arg22[%dma_wait3A_464] : memref<2x!tpu.dma_semaphore, #tpu.memory_space<semaphore_mem>> -> memref<1x!tpu.dma_semaphore, #tpu.memory_space<semaphore_mem>>
        %dma_wait3A_468 = tpu.memref_squeeze %dma_wait3A_467 : memref<1x!tpu.dma_semaphore, #tpu.memory_space<semaphore_mem>> -> memref<!tpu.dma_semaphore, #tpu.memory_space<semaphore_mem>>
        %dma_wait3A_469 = arith.constant 0 : i32
        %dma_wait3A_470 = tpu.memref_slice %arg3[%dma_wait3A_469] : memref<640000xi32, #tpu.memory_space<hbm>> -> memref<128xi32, #tpu.memory_space<hbm>>
        tpu.wait_dma2 semaphore(%dma_wait3A_468 : memref<!tpu.dma_semaphore, #tpu.memory_space<semaphore_mem>>) src(%dma_wait3A_470 : memref<128xi32, #tpu.memory_space<hbm>>) dst(%arg14 : memref<128xi32, #tpu.memory_space<vmem>>)
        %dma_start3A_471 = arith.constant 0 : i32
        %dma_start3A_472 = arith.constant 0 : i32
        %dma_start3A_473 = arith.constant 0 : i32
        %dma_start3A_474 = tpu.memref_slice %arg2[%dma_start3A_472, %dma_start3A_473] : memref<10000x128xf32, #tpu.memory_space<hbm>> -> memref<10000x128xf32, #tpu.memory_space<hbm>>
        %dma_start3A_475 = tpu.memref_slice %arg21[%dma_start3A_471] : memref<2x!tpu.dma_semaphore, #tpu.memory_space<semaphore_mem>> -> memref<1x!tpu.dma_semaphore, #tpu.memory_space<semaphore_mem>>
        %dma_start3A_476 = tpu.memref_squeeze %dma_start3A_475 : memref<1x!tpu.dma_semaphore, #tpu.memory_space<semaphore_mem>> -> memref<!tpu.dma_semaphore, #tpu.memory_space<semaphore_mem>>
        tpu.enqueue_indirect_dma source(%dma_start3A_474 : memref<10000x128xf32, #tpu.memory_space<hbm>>) target(%arg10 : memref<128x128xf32, #tpu.memory_space<vmem>>) offsets(%arg12 : memref<128xi32, #tpu.memory_space<vmem>>) semaphore(%dma_start3A_476 : memref<!tpu.dma_semaphore, #tpu.memory_space<semaphore_mem>>)
      } else {
      }
      %dma_wait3A_434 = arith.constant 1 : i32
      %dma_wait3A_435 = arith.constant 0 : i32
      %dma_wait3A_436 = arith.constant 0 : i32
      %dma_wait3A_437 = tpu.memref_slice %arg2[%dma_wait3A_435, %dma_wait3A_436] : memref<10000x128xf32, #tpu.memory_space<hbm>> -> memref<10000x128xf32, #tpu.memory_space<hbm>>
      %dma_wait3A_438 = tpu.memref_slice %arg21[%dma_wait3A_434] : memref<2x!tpu.dma_semaphore, #tpu.memory_space<semaphore_mem>> -> memref<1x!tpu.dma_semaphore, #tpu.memory_space<semaphore_mem>>
      %dma_wait3A_439 = tpu.memref_squeeze %dma_wait3A_438 : memref<1x!tpu.dma_semaphore, #tpu.memory_space<semaphore_mem>> -> memref<!tpu.dma_semaphore, #tpu.memory_space<semaphore_mem>>
      tpu.wait_indirect_dma semaphore(%dma_wait3A_439 : memref<!tpu.dma_semaphore, #tpu.memory_space<semaphore_mem>>) src(%dma_wait3A_437 : memref<10000x128xf32, #tpu.memory_space<hbm>>) dst(%arg11 : memref<128x128xf32, #tpu.memory_space<vmem>>)
      %add3A_440 = arith.constant 2 : i32
      %add3A_441 = arith.addi %add3A_426, %add3A_440 : i32
      %lt3A_442 = arith.constant 78 : i32
      %lt3A_443 = arith.cmpi slt, %add3A_441, %lt3A_442 : i32
      %convert_element_type3A_444 = arith.extui %lt3A_443 : i1 to i32
      %cond3A_445 = arith.constant 0 : i32
      %cond3A_446 = arith.cmpi ne, %convert_element_type3A_444, %cond3A_445 : i32
      scf.if %cond3A_446 {
        %add3A_457 = arith.constant 2 : i32
        %add3A_458 = arith.addi %add3A_426, %add3A_457 : i32
        %mul3A_459 = arith.constant 128 : i32
        %mul3A_460 = arith.muli %add3A_458, %mul3A_459 : i32
        %add3A_461 = arith.addi %mul3A_2, %mul3A_460 : i32
        %multiple_of3A_462 = tpu.assume_multiple %add3A_461, 8 : i32
        %dma_start3A_463 = arith.constant 1 : i32
        %dma_start3A_464 = tpu.memref_slice %arg3[%multiple_of3A_462] : memref<640000xi32, #tpu.memory_space<hbm>> -> memref<128xi32, #tpu.memory_space<hbm>>
        %dma_start3A_465 = tpu.memref_slice %arg22[%dma_start3A_463] : memref<2x!tpu.dma_semaphore, #tpu.memory_space<semaphore_mem>> -> memref<1x!tpu.dma_semaphore, #tpu.memory_space<semaphore_mem>>
        %dma_start3A_466 = tpu.memref_squeeze %dma_start3A_465 : memref<1x!tpu.dma_semaphore, #tpu.memory_space<semaphore_mem>> -> memref<!tpu.dma_semaphore, #tpu.memory_space<semaphore_mem>>
        %dma_start3A_467 = tpu.memref_slice %arg3[%multiple_of3A_462] : memref<640000xi32, #tpu.memory_space<hbm>> -> memref<128xi32, #tpu.memory_space<hbm>>
        tpu.enqueue_dma source(%dma_start3A_467 : memref<128xi32, #tpu.memory_space<hbm>>) target(%arg13 : memref<128xi32, #tpu.memory_space<vmem>>) target_semaphore(%dma_start3A_466 : memref<!tpu.dma_semaphore, #tpu.memory_space<semaphore_mem>>)
        %add3A_468 = arith.constant 320000 : i32
        %add3A_469 = arith.addi %add3A_468, %multiple_of3A_462 : i32
        %dma_start3A_470 = arith.constant 1 : i32
        %dma_start3A_471 = tpu.memref_slice %arg3[%add3A_469] : memref<640000xi32, #tpu.memory_space<hbm>> -> memref<128xi32, #tpu.memory_space<hbm>>
        %dma_start3A_472 = tpu.memref_slice %arg22[%dma_start3A_470] : memref<2x!tpu.dma_semaphore, #tpu.memory_space<semaphore_mem>> -> memref<1x!tpu.dma_semaphore, #tpu.memory_space<semaphore_mem>>
        %dma_start3A_473 = tpu.memref_squeeze %dma_start3A_472 : memref<1x!tpu.dma_semaphore, #tpu.memory_space<semaphore_mem>> -> memref<!tpu.dma_semaphore, #tpu.memory_space<semaphore_mem>>
        %dma_start3A_474 = tpu.memref_slice %arg3[%add3A_469] : memref<640000xi32, #tpu.memory_space<hbm>> -> memref<128xi32, #tpu.memory_space<hbm>>
        tpu.enqueue_dma source(%dma_start3A_474 : memref<128xi32, #tpu.memory_space<hbm>>) target(%arg15 : memref<128xi32, #tpu.memory_space<vmem>>) target_semaphore(%dma_start3A_473 : memref<!tpu.dma_semaphore, #tpu.memory_space<semaphore_mem>>)
      } else {
      }
      %dma_start3A_447 = arith.constant 0 : i32
      %dma_start3A_448 = arith.constant 0 : i32
      %dma_start3A_449 = tpu.memref_slice %arg8[%dma_start3A_447, %dma_start3A_448] : memref<10000x128xf32, #tpu.memory_space<vmem_shared>> -> memref<10000x128xf32, #tpu.memory_space<vmem_shared>>
      tpu.enqueue_indirect_dma source(%arg11 : memref<128x128xf32, #tpu.memory_space<vmem>>) target(%dma_start3A_449 : memref<10000x128xf32, #tpu.memory_space<vmem_shared>>) offsets(%arg15 : memref<128xi32, #tpu.memory_space<vmem>>) semaphore(%arg23 : memref<!tpu.dma_semaphore, #tpu.memory_space<semaphore_mem>>) {add = true}
      %dma_start3A_450 = arith.constant 0 : i32
      %dma_start3A_451 = tpu.memref_slice %arg9[%dma_start3A_450] : memref<10240xf32, #tpu.memory_space<vmem_shared>> -> memref<10240xf32, #tpu.memory_space<vmem_shared>>
      tpu.enqueue_indirect_dma source(%arg19 : memref<128xf32, #tpu.memory_space<vmem>>) target(%dma_start3A_451 : memref<10240xf32, #tpu.memory_space<vmem_shared>>) offsets(%arg15 : memref<128xi32, #tpu.memory_space<vmem>>) semaphore(%arg24 : memref<!tpu.dma_semaphore, #tpu.memory_space<semaphore_mem>>) {add = true}
      %dma_wait3A_452 = arith.constant 0 : i32
      %dma_wait3A_453 = arith.constant 0 : i32
      %dma_wait3A_454 = tpu.memref_slice %arg8[%dma_wait3A_452, %dma_wait3A_453] : memref<10000x128xf32, #tpu.memory_space<vmem_shared>> -> memref<10000x128xf32, #tpu.memory_space<vmem_shared>>
      tpu.wait_indirect_dma semaphore(%arg23 : memref<!tpu.dma_semaphore, #tpu.memory_space<semaphore_mem>>) src(%arg11 : memref<128x128xf32, #tpu.memory_space<vmem>>) dst(%dma_wait3A_454 : memref<10000x128xf32, #tpu.memory_space<vmem_shared>>)
      %dma_wait3A_455 = arith.constant 0 : i32
      %dma_wait3A_456 = tpu.memref_slice %arg9[%dma_wait3A_455] : memref<10240xf32, #tpu.memory_space<vmem_shared>> -> memref<10240xf32, #tpu.memory_space<vmem_shared>>
      tpu.wait_indirect_dma semaphore(%arg24 : memref<!tpu.dma_semaphore, #tpu.memory_space<semaphore_mem>>) src(%arg19 : memref<128xf32, #tpu.memory_space<vmem>>) dst(%dma_wait3A_456 : memref<10240xf32, #tpu.memory_space<vmem_shared>>)
    }
    %scan3A_368 = arith.constant 39 : i32
    %add3A_369 = arith.constant 9984 : i32
    %add3A_370 = arith.addi %mul3A_2, %add3A_369 : i32
    %multiple_of3A_371 = tpu.assume_multiple %add3A_370, 8 : i32
    "tpu.region"() ({
      %run_scoped3A = tpu.sem_alloc : memref<!tpu.dma_semaphore, #tpu.memory_space<semaphore_mem>>
      %dma_start3A_389 = tpu.memref_slice %arg3[%multiple_of3A_371] : memref<640000xi32, #tpu.memory_space<hbm>> -> memref<16xi32, #tpu.memory_space<hbm>>
      %dma_start3A_390 = tpu.memref_slice %arg3[%multiple_of3A_371] : memref<640000xi32, #tpu.memory_space<hbm>> -> memref<16xi32, #tpu.memory_space<hbm>>
      tpu.enqueue_dma source(%dma_start3A_390 : memref<16xi32, #tpu.memory_space<hbm>>) target(%arg17 : memref<16xi32, #tpu.memory_space<vmem>>) target_semaphore(%run_scoped3A : memref<!tpu.dma_semaphore, #tpu.memory_space<semaphore_mem>>)
      %dma_wait3A_391 = tpu.memref_slice %arg3[%multiple_of3A_371] : memref<640000xi32, #tpu.memory_space<hbm>> -> memref<16xi32, #tpu.memory_space<hbm>>
      %dma_wait3A_392 = tpu.memref_slice %arg3[%multiple_of3A_371] : memref<640000xi32, #tpu.memory_space<hbm>> -> memref<16xi32, #tpu.memory_space<hbm>>
      tpu.wait_dma2 semaphore(%run_scoped3A : memref<!tpu.dma_semaphore, #tpu.memory_space<semaphore_mem>>) src(%dma_wait3A_392 : memref<16xi32, #tpu.memory_space<hbm>>) dst(%arg17 : memref<16xi32, #tpu.memory_space<vmem>>)
      tpu.yield
    }) : () -> ()
    %add3A_372 = arith.constant 320000 : i32
    %add3A_373 = arith.addi %add3A_372, %multiple_of3A_371 : i32
    "tpu.region"() ({
      %run_scoped3A = tpu.sem_alloc : memref<!tpu.dma_semaphore, #tpu.memory_space<semaphore_mem>>
      %dma_start3A_389 = tpu.memref_slice %arg3[%add3A_373] : memref<640000xi32, #tpu.memory_space<hbm>> -> memref<16xi32, #tpu.memory_space<hbm>>
      %dma_start3A_390 = tpu.memref_slice %arg3[%add3A_373] : memref<640000xi32, #tpu.memory_space<hbm>> -> memref<16xi32, #tpu.memory_space<hbm>>
      tpu.enqueue_dma source(%dma_start3A_390 : memref<16xi32, #tpu.memory_space<hbm>>) target(%arg18 : memref<16xi32, #tpu.memory_space<vmem>>) target_semaphore(%run_scoped3A : memref<!tpu.dma_semaphore, #tpu.memory_space<semaphore_mem>>)
      %dma_wait3A_391 = tpu.memref_slice %arg3[%add3A_373] : memref<640000xi32, #tpu.memory_space<hbm>> -> memref<16xi32, #tpu.memory_space<hbm>>
      %dma_wait3A_392 = tpu.memref_slice %arg3[%add3A_373] : memref<640000xi32, #tpu.memory_space<hbm>> -> memref<16xi32, #tpu.memory_space<hbm>>
      tpu.wait_dma2 semaphore(%run_scoped3A : memref<!tpu.dma_semaphore, #tpu.memory_space<semaphore_mem>>) src(%dma_wait3A_392 : memref<16xi32, #tpu.memory_space<hbm>>) dst(%arg18 : memref<16xi32, #tpu.memory_space<vmem>>)
      tpu.yield
    }) : () -> ()
    "tpu.region"() ({
      %run_scoped3A = tpu.sem_alloc : memref<!tpu.dma_semaphore, #tpu.memory_space<semaphore_mem>>
      %dma_start3A_389 = arith.constant 0 : i32
      %dma_start3A_390 = arith.constant 0 : i32
      %dma_start3A_391 = tpu.memref_slice %arg2[%dma_start3A_389, %dma_start3A_390] : memref<10000x128xf32, #tpu.memory_space<hbm>> -> memref<10000x128xf32, #tpu.memory_space<hbm>>
      tpu.enqueue_indirect_dma source(%dma_start3A_391 : memref<10000x128xf32, #tpu.memory_space<hbm>>) target(%arg16 : memref<16x128xf32, #tpu.memory_space<vmem>>) offsets(%arg17 : memref<16xi32, #tpu.memory_space<vmem>>) semaphore(%run_scoped3A : memref<!tpu.dma_semaphore, #tpu.memory_space<semaphore_mem>>)
      %dma_wait3A_392 = arith.constant 0 : i32
      %dma_wait3A_393 = arith.constant 0 : i32
      %dma_wait3A_394 = tpu.memref_slice %arg2[%dma_wait3A_392, %dma_wait3A_393] : memref<10000x128xf32, #tpu.memory_space<hbm>> -> memref<10000x128xf32, #tpu.memory_space<hbm>>
      tpu.wait_indirect_dma semaphore(%run_scoped3A : memref<!tpu.dma_semaphore, #tpu.memory_space<semaphore_mem>>) src(%dma_wait3A_394 : memref<10000x128xf32, #tpu.memory_space<hbm>>) dst(%arg16 : memref<16x128xf32, #tpu.memory_space<vmem>>)
      tpu.yield
    }) : () -> ()
    "tpu.region"() ({
      %run_scoped3A = tpu.sem_alloc : memref<!tpu.dma_semaphore, #tpu.memory_space<semaphore_mem>>
      %dma_start3A_389 = arith.constant 0 : i32
      %dma_start3A_390 = arith.constant 0 : i32
      %dma_start3A_391 = tpu.memref_slice %arg8[%dma_start3A_389, %dma_start3A_390] : memref<10000x128xf32, #tpu.memory_space<vmem_shared>> -> memref<10000x128xf32, #tpu.memory_space<vmem_shared>>
      tpu.enqueue_indirect_dma source(%arg16 : memref<16x128xf32, #tpu.memory_space<vmem>>) target(%dma_start3A_391 : memref<10000x128xf32, #tpu.memory_space<vmem_shared>>) offsets(%arg18 : memref<16xi32, #tpu.memory_space<vmem>>) semaphore(%run_scoped3A : memref<!tpu.dma_semaphore, #tpu.memory_space<semaphore_mem>>) {add = true}
      %dma_wait3A_392 = arith.constant 0 : i32
      %dma_wait3A_393 = arith.constant 0 : i32
      %dma_wait3A_394 = tpu.memref_slice %arg8[%dma_wait3A_392, %dma_wait3A_393] : memref<10000x128xf32, #tpu.memory_space<vmem_shared>> -> memref<10000x128xf32, #tpu.memory_space<vmem_shared>>
      tpu.wait_indirect_dma semaphore(%run_scoped3A : memref<!tpu.dma_semaphore, #tpu.memory_space<semaphore_mem>>) src(%arg16 : memref<16x128xf32, #tpu.memory_space<vmem>>) dst(%dma_wait3A_394 : memref<10000x128xf32, #tpu.memory_space<vmem_shared>>)
      tpu.yield
    }) : () -> ()
    "tpu.region"() ({
      %run_scoped3A = tpu.sem_alloc : memref<!tpu.dma_semaphore, #tpu.memory_space<semaphore_mem>>
      %dma_start3A_389 = arith.constant 0 : i32
      %dma_start3A_390 = tpu.memref_slice %arg19[%dma_start3A_389] : memref<128xf32, #tpu.memory_space<vmem>> -> memref<16xf32, #tpu.memory_space<vmem>>
      %dma_start3A_391 = arith.constant 0 : i32
      %dma_start3A_392 = tpu.memref_slice %arg9[%dma_start3A_391] : memref<10240xf32, #tpu.memory_space<vmem_shared>> -> memref<10240xf32, #tpu.memory_space<vmem_shared>>
      tpu.enqueue_indirect_dma source(%dma_start3A_390 : memref<16xf32, #tpu.memory_space<vmem>>) target(%dma_start3A_392 : memref<10240xf32, #tpu.memory_space<vmem_shared>>) offsets(%arg18 : memref<16xi32, #tpu.memory_space<vmem>>) semaphore(%run_scoped3A : memref<!tpu.dma_semaphore, #tpu.memory_space<semaphore_mem>>) {add = true}
      %dma_wait3A_393 = arith.constant 0 : i32
      %dma_wait3A_394 = tpu.memref_slice %arg19[%dma_wait3A_393] : memref<128xf32, #tpu.memory_space<vmem>> -> memref<16xf32, #tpu.memory_space<vmem>>
      %dma_wait3A_395 = arith.constant 0 : i32
      %dma_wait3A_396 = tpu.memref_slice %arg9[%dma_wait3A_395] : memref<10240xf32, #tpu.memory_space<vmem_shared>> -> memref<10240xf32, #tpu.memory_space<vmem_shared>>
      tpu.wait_indirect_dma semaphore(%run_scoped3A : memref<!tpu.dma_semaphore, #tpu.memory_space<semaphore_mem>>) src(%dma_wait3A_394 : memref<16xf32, #tpu.memory_space<vmem>>) dst(%dma_wait3A_396 : memref<10240xf32, #tpu.memory_space<vmem_shared>>)
      tpu.yield
    }) : () -> ()
    %barrier3A_374 = arith.constant 0 : index
    tpu.barrier barrier_id(%barrier3A_374)
    %mul3A_375 = arith.constant 624 : i32
    %mul3A_376 = arith.muli %arg1, %mul3A_375 : i32
    %mul3A_377 = arith.constant 640 : i32
    %mul3A_378 = arith.muli %arg1, %mul3A_377 : i32
    %eq3A_379 = arith.constant 0 : i32
    %eq3A_380 = arith.cmpi eq, %arg0, %eq3A_379 : i32
    %convert_element_type3A_381 = arith.extui %eq3A_380 : i1 to i32
    %cond3A_382 = arith.constant 0 : i32
    %cond3A_383 = arith.cmpi ne, %convert_element_type3A_381, %cond3A_382 : i32
    scf.if %cond3A_383 {
      "tpu.region"() ({
        %run_scoped3A = tpu.sem_alloc : memref<!tpu.dma_semaphore, #tpu.memory_space<semaphore_mem>>
        %dma_start3A_394 = arith.constant 0 : i32
        %dma_start3A_395 = tpu.memref_slice %arg4[%mul3A_376, %dma_start3A_394] : memref<10000x128xf32, #tpu.memory_space<hbm>> -> memref<624x128xf32, #tpu.memory_space<hbm>>
        %dma_start3A_396 = arith.constant 0 : i32
        %dma_start3A_397 = tpu.memref_slice %arg8[%mul3A_376, %dma_start3A_396] : memref<10000x128xf32, #tpu.memory_space<vmem_shared>> -> memref<624x128xf32, #tpu.memory_space<vmem_shared>>
        tpu.enqueue_dma source(%dma_start3A_397 : memref<624x128xf32, #tpu.memory_space<vmem_shared>>) target(%dma_start3A_395 : memref<624x128xf32, #tpu.memory_space<hbm>>) target_semaphore(%run_scoped3A : memref<!tpu.dma_semaphore, #tpu.memory_space<semaphore_mem>>)
        %dma_wait3A_398 = arith.constant 0 : i32
        %dma_wait3A_399 = tpu.memref_slice %arg4[%mul3A_376, %dma_wait3A_398] : memref<10000x128xf32, #tpu.memory_space<hbm>> -> memref<624x128xf32, #tpu.memory_space<hbm>>
        %dma_wait3A_400 = arith.constant 0 : i32
        %dma_wait3A_401 = tpu.memref_slice %arg8[%mul3A_376, %dma_wait3A_400] : memref<10000x128xf32, #tpu.memory_space<vmem_shared>> -> memref<624x128xf32, #tpu.memory_space<vmem_shared>>
        tpu.wait_dma2 semaphore(%run_scoped3A : memref<!tpu.dma_semaphore, #tpu.memory_space<semaphore_mem>>) src(%dma_wait3A_401 : memref<624x128xf32, #tpu.memory_space<vmem_shared>>) dst(%dma_wait3A_399 : memref<624x128xf32, #tpu.memory_space<hbm>>)
        tpu.yield
      }) : () -> ()
      "tpu.region"() ({
        %run_scoped3A = tpu.sem_alloc : memref<!tpu.dma_semaphore, #tpu.memory_space<semaphore_mem>>
        %dma_start3A_394 = tpu.memref_slice %arg6[%mul3A_378] : memref<10240xf32, #tpu.memory_space<hbm>> -> memref<640xf32, #tpu.memory_space<hbm>>
        %dma_start3A_395 = tpu.memref_slice %arg9[%mul3A_378] : memref<10240xf32, #tpu.memory_space<vmem_shared>> -> memref<640xf32, #tpu.memory_space<vmem_shared>>
        tpu.enqueue_dma source(%dma_start3A_395 : memref<640xf32, #tpu.memory_space<vmem_shared>>) target(%dma_start3A_394 : memref<640xf32, #tpu.memory_space<hbm>>) target_semaphore(%run_scoped3A : memref<!tpu.dma_semaphore, #tpu.memory_space<semaphore_mem>>)
        %dma_wait3A_396 = tpu.memref_slice %arg6[%mul3A_378] : memref<10240xf32, #tpu.memory_space<hbm>> -> memref<640xf32, #tpu.memory_space<hbm>>
        %dma_wait3A_397 = tpu.memref_slice %arg9[%mul3A_378] : memref<10240xf32, #tpu.memory_space<vmem_shared>> -> memref<640xf32, #tpu.memory_space<vmem_shared>>
        tpu.wait_dma2 semaphore(%run_scoped3A : memref<!tpu.dma_semaphore, #tpu.memory_space<semaphore_mem>>) src(%dma_wait3A_397 : memref<640xf32, #tpu.memory_space<vmem_shared>>) dst(%dma_wait3A_396 : memref<640xf32, #tpu.memory_space<hbm>>)
        tpu.yield
      }) : () -> ()
      %eq3A_389 = arith.constant 15 : i32
      %eq3A_390 = arith.cmpi eq, %arg1, %eq3A_389 : i32
      %convert_element_type3A_391 = arith.extui %eq3A_390 : i1 to i32
      %cond3A_392 = arith.constant 0 : i32
      %cond3A_393 = arith.cmpi ne, %convert_element_type3A_391, %cond3A_392 : i32
      scf.if %cond3A_393 {
        "tpu.region"() ({
          %run_scoped3A = tpu.sem_alloc : memref<!tpu.dma_semaphore, #tpu.memory_space<semaphore_mem>>
          %dma_start3A_394 = arith.constant 9984 : i32
          %dma_start3A_395 = arith.constant 0 : i32
          %dma_start3A_396 = tpu.memref_slice %arg4[%dma_start3A_394, %dma_start3A_395] : memref<10000x128xf32, #tpu.memory_space<hbm>> -> memref<16x128xf32, #tpu.memory_space<hbm>>
          %dma_start3A_397 = arith.constant 9984 : i32
          %dma_start3A_398 = arith.constant 0 : i32
          %dma_start3A_399 = tpu.memref_slice %arg8[%dma_start3A_397, %dma_start3A_398] : memref<10000x128xf32, #tpu.memory_space<vmem_shared>> -> memref<16x128xf32, #tpu.memory_space<vmem_shared>>
          tpu.enqueue_dma source(%dma_start3A_399 : memref<16x128xf32, #tpu.memory_space<vmem_shared>>) target(%dma_start3A_396 : memref<16x128xf32, #tpu.memory_space<hbm>>) target_semaphore(%run_scoped3A : memref<!tpu.dma_semaphore, #tpu.memory_space<semaphore_mem>>)
          %dma_wait3A_400 = arith.constant 9984 : i32
          %dma_wait3A_401 = arith.constant 0 : i32
          %dma_wait3A_402 = tpu.memref_slice %arg4[%dma_wait3A_400, %dma_wait3A_401] : memref<10000x128xf32, #tpu.memory_space<hbm>> -> memref<16x128xf32, #tpu.memory_space<hbm>>
          %dma_wait3A_403 = arith.constant 9984 : i32
          %dma_wait3A_404 = arith.constant 0 : i32
          %dma_wait3A_405 = tpu.memref_slice %arg8[%dma_wait3A_403, %dma_wait3A_404] : memref<10000x128xf32, #tpu.memory_space<vmem_shared>> -> memref<16x128xf32, #tpu.memory_space<vmem_shared>>
          tpu.wait_dma2 semaphore(%run_scoped3A : memref<!tpu.dma_semaphore, #tpu.memory_space<semaphore_mem>>) src(%dma_wait3A_405 : memref<16x128xf32, #tpu.memory_space<vmem_shared>>) dst(%dma_wait3A_402 : memref<16x128xf32, #tpu.memory_space<hbm>>)
          tpu.yield
        }) : () -> ()
      } else {
      }
    } else {
    }
    %eq3A_384 = arith.constant 1 : i32
    %eq3A_385 = arith.cmpi eq, %arg0, %eq3A_384 : i32
    %convert_element_type3A_386 = arith.extui %eq3A_385 : i1 to i32
    %cond3A_387 = arith.constant 0 : i32
    %cond3A_388 = arith.cmpi ne, %convert_element_type3A_386, %cond3A_387 : i32
    scf.if %cond3A_388 {
      "tpu.region"() ({
        %run_scoped3A = tpu.sem_alloc : memref<!tpu.dma_semaphore, #tpu.memory_space<semaphore_mem>>
        %dma_start3A_394 = arith.constant 0 : i32
        %dma_start3A_395 = tpu.memref_slice %arg5[%mul3A_376, %dma_start3A_394] : memref<10000x128xf32, #tpu.memory_space<hbm>> -> memref<624x128xf32, #tpu.memory_space<hbm>>
        %dma_start3A_396 = arith.constant 0 : i32
        %dma_start3A_397 = tpu.memref_slice %arg8[%mul3A_376, %dma_start3A_396] : memref<10000x128xf32, #tpu.memory_space<vmem_shared>> -> memref<624x128xf32, #tpu.memory_space<vmem_shared>>
        tpu.enqueue_dma source(%dma_start3A_397 : memref<624x128xf32, #tpu.memory_space<vmem_shared>>) target(%dma_start3A_395 : memref<624x128xf32, #tpu.memory_space<hbm>>) target_semaphore(%run_scoped3A : memref<!tpu.dma_semaphore, #tpu.memory_space<semaphore_mem>>)
        %dma_wait3A_398 = arith.constant 0 : i32
        %dma_wait3A_399 = tpu.memref_slice %arg5[%mul3A_376, %dma_wait3A_398] : memref<10000x128xf32, #tpu.memory_space<hbm>> -> memref<624x128xf32, #tpu.memory_space<hbm>>
        %dma_wait3A_400 = arith.constant 0 : i32
        %dma_wait3A_401 = tpu.memref_slice %arg8[%mul3A_376, %dma_wait3A_400] : memref<10000x128xf32, #tpu.memory_space<vmem_shared>> -> memref<624x128xf32, #tpu.memory_space<vmem_shared>>
        tpu.wait_dma2 semaphore(%run_scoped3A : memref<!tpu.dma_semaphore, #tpu.memory_space<semaphore_mem>>) src(%dma_wait3A_401 : memref<624x128xf32, #tpu.memory_space<vmem_shared>>) dst(%dma_wait3A_399 : memref<624x128xf32, #tpu.memory_space<hbm>>)
        tpu.yield
      }) : () -> ()
      "tpu.region"() ({
        %run_scoped3A = tpu.sem_alloc : memref<!tpu.dma_semaphore, #tpu.memory_space<semaphore_mem>>
        %dma_start3A_394 = tpu.memref_slice %arg7[%mul3A_378] : memref<10240xf32, #tpu.memory_space<hbm>> -> memref<640xf32, #tpu.memory_space<hbm>>
        %dma_start3A_395 = tpu.memref_slice %arg9[%mul3A_378] : memref<10240xf32, #tpu.memory_space<vmem_shared>> -> memref<640xf32, #tpu.memory_space<vmem_shared>>
        tpu.enqueue_dma source(%dma_start3A_395 : memref<640xf32, #tpu.memory_space<vmem_shared>>) target(%dma_start3A_394 : memref<640xf32, #tpu.memory_space<hbm>>) target_semaphore(%run_scoped3A : memref<!tpu.dma_semaphore, #tpu.memory_space<semaphore_mem>>)
        %dma_wait3A_396 = tpu.memref_slice %arg7[%mul3A_378] : memref<10240xf32, #tpu.memory_space<hbm>> -> memref<640xf32, #tpu.memory_space<hbm>>
        %dma_wait3A_397 = tpu.memref_slice %arg9[%mul3A_378] : memref<10240xf32, #tpu.memory_space<vmem_shared>> -> memref<640xf32, #tpu.memory_space<vmem_shared>>
        tpu.wait_dma2 semaphore(%run_scoped3A : memref<!tpu.dma_semaphore, #tpu.memory_space<semaphore_mem>>) src(%dma_wait3A_397 : memref<640xf32, #tpu.memory_space<vmem_shared>>) dst(%dma_wait3A_396 : memref<640xf32, #tpu.memory_space<hbm>>)
        tpu.yield
      }) : () -> ()
      %eq3A_389 = arith.constant 15 : i32
      %eq3A_390 = arith.cmpi eq, %arg1, %eq3A_389 : i32
      %convert_element_type3A_391 = arith.extui %eq3A_390 : i1 to i32
      %cond3A_392 = arith.constant 0 : i32
      %cond3A_393 = arith.cmpi ne, %convert_element_type3A_391, %cond3A_392 : i32
      scf.if %cond3A_393 {
        "tpu.region"() ({
          %run_scoped3A = tpu.sem_alloc : memref<!tpu.dma_semaphore, #tpu.memory_space<semaphore_mem>>
          %dma_start3A_394 = arith.constant 9984 : i32
          %dma_start3A_395 = arith.constant 0 : i32
          %dma_start3A_396 = tpu.memref_slice %arg5[%dma_start3A_394, %dma_start3A_395] : memref<10000x128xf32, #tpu.memory_space<hbm>> -> memref<16x128xf32, #tpu.memory_space<hbm>>
          %dma_start3A_397 = arith.constant 9984 : i32
          %dma_start3A_398 = arith.constant 0 : i32
          %dma_start3A_399 = tpu.memref_slice %arg8[%dma_start3A_397, %dma_start3A_398] : memref<10000x128xf32, #tpu.memory_space<vmem_shared>> -> memref<16x128xf32, #tpu.memory_space<vmem_shared>>
          tpu.enqueue_dma source(%dma_start3A_399 : memref<16x128xf32, #tpu.memory_space<vmem_shared>>) target(%dma_start3A_396 : memref<16x128xf32, #tpu.memory_space<hbm>>) target_semaphore(%run_scoped3A : memref<!tpu.dma_semaphore, #tpu.memory_space<semaphore_mem>>)
          %dma_wait3A_400 = arith.constant 9984 : i32
          %dma_wait3A_401 = arith.constant 0 : i32
          %dma_wait3A_402 = tpu.memref_slice %arg5[%dma_wait3A_400, %dma_wait3A_401] : memref<10000x128xf32, #tpu.memory_space<hbm>> -> memref<16x128xf32, #tpu.memory_space<hbm>>
          %dma_wait3A_403 = arith.constant 9984 : i32
          %dma_wait3A_404 = arith.constant 0 : i32
          %dma_wait3A_405 = tpu.memref_slice %arg8[%dma_wait3A_403, %dma_wait3A_404] : memref<10000x128xf32, #tpu.memory_space<vmem_shared>> -> memref<16x128xf32, #tpu.memory_space<vmem_shared>>
          tpu.wait_dma2 semaphore(%run_scoped3A : memref<!tpu.dma_semaphore, #tpu.memory_space<semaphore_mem>>) src(%dma_wait3A_405 : memref<16x128xf32, #tpu.memory_space<vmem_shared>>) dst(%dma_wait3A_402 : memref<16x128xf32, #tpu.memory_space<hbm>>)
          tpu.yield
        }) : () -> ()
      } else {
      }
    } else {
    }
    return
  }
}

module attributes {stable_mosaic.version = 14 : i64} {
  func.func @_tc_body(%arg0: i32, %arg1: memref<1000x128xf32, #tpu.memory_space<vmem>>, %arg2: memref<1000x128xf32, #tpu.memory_space<vmem>>, %arg3: memref<1000x128xf32, #tpu.memory_space<vmem>>, %arg4: memref<1000x1xf32, #tpu.memory_space<vmem>>, %arg5: memref<1000x1xf32, #tpu.memory_space<vmem>>, %arg6: memref<1000x256xf32, #tpu.memory_space<vmem>>) attributes {dimension_semantics = [#tpu.dimension_semantics<arbitrary>], iteration_bounds = array<i64: 10>, scalar_prefetch = 0 : i64, scratch_operands = 0 : i64, tpu.core_type = #tpu.core_type<tc>, window_params = [{transform_indices = @transform_0, window_bounds = array<i64: 1000, 128>}, {transform_indices = @transform_1, window_bounds = array<i64: 1000, 128>}, {transform_indices = @transform_2, window_bounds = array<i64: 1000, 128>}, {transform_indices = @transform_3, window_bounds = array<i64: 1000, 1>}, {transform_indices = @transform_4, window_bounds = array<i64: 1000, 1>}, {transform_indices = @transform_5, window_bounds = array<i64: 1000, 256>}]} {
    %get3A = arith.constant 0 : index
    %get3A_0 = arith.constant 0 : index
    %get3A_1 = vector.load %arg2[%get3A, %get3A_0] : memref<1000x128xf32, #tpu.memory_space<vmem>>, vector<1000x128xf32>
    %get3A_2 = arith.constant 0 : index
    %get3A_3 = arith.constant 0 : index
    %get3A_4 = vector.load %arg3[%get3A_2, %get3A_3] : memref<1000x128xf32, #tpu.memory_space<vmem>>, vector<1000x128xf32>
    %add3A = arith.addf %get3A_1, %get3A_4 : vector<1000x128xf32>
    %get3A_5 = arith.constant 0 : index
    %get3A_6 = arith.constant 0 : index
    %get3A_7 = vector.load %arg4[%get3A_5, %get3A_6] : memref<1000x1xf32, #tpu.memory_space<vmem>>, vector<1000x1xf32>
    %get3A_8 = arith.constant 0 : index
    %get3A_9 = arith.constant 0 : index
    %get3A_10 = vector.load %arg5[%get3A_8, %get3A_9] : memref<1000x1xf32, #tpu.memory_space<vmem>>, vector<1000x1xf32>
    %add3A_11 = arith.addf %get3A_7, %get3A_10 : vector<1000x1xf32>
    %max3A = arith.constant 1.000000e+00 : f32
    %max3A_12 = vector.broadcast %max3A : f32 to vector<1000x1xf32>
    %max3A_13 = arith.maximumf %add3A_11, %max3A_12 : vector<1000x1xf32>
    %get3A_14 = arith.constant 0 : index
    %get3A_15 = arith.constant 0 : index
    %get3A_16 = vector.load %arg1[%get3A_14, %get3A_15] : memref<1000x128xf32, #tpu.memory_space<vmem>>, vector<1000x128xf32>
    %swap3A = arith.constant 0 : index
    %swap3A_17 = arith.constant 0 : index
    %swap3A_18 = vector.load %arg6[%swap3A, %swap3A_17] : memref<1000x256xf32, #tpu.memory_space<vmem>>, vector<1000x128xf32>
    tpu.vector_store %arg6[%swap3A, %swap3A_17], %get3A_16 {strides = array<i32>} : memref<1000x256xf32, #tpu.memory_space<vmem>>, vector<1000x128xf32>,
    %div3A = vector.broadcast %max3A_13 : vector<1000x1xf32> to vector<1000x128xf32>
    %div3A_19 = arith.divf %add3A, %div3A : vector<1000x128xf32>
    %swap3A_20 = arith.constant 0 : index
    %swap3A_21 = arith.constant 128 : index
    %swap3A_22 = vector.load %arg6[%swap3A_20, %swap3A_21] : memref<1000x256xf32, #tpu.memory_space<vmem>>, vector<1000x128xf32>
    tpu.vector_store %arg6[%swap3A_20, %swap3A_21], %div3A_19 {strides = array<i32>} : memref<1000x256xf32, #tpu.memory_space<vmem>>, vector<1000x128xf32>,
    return
  }
  func.func @transform_0(%arg0: i32) -> (i32, i32) {
    %c0_i32 = arith.constant 0 : i32
    %c0_i32_0 = arith.constant 0 : i32
    return %arg0, %c0_i32 : i32, i32
  }
  func.func @transform_1(%arg0: i32) -> (i32, i32) {
    %c0_i32 = arith.constant 0 : i32
    %c0_i32_0 = arith.constant 0 : i32
    return %arg0, %c0_i32 : i32, i32
  }
  func.func @transform_2(%arg0: i32) -> (i32, i32) {
    %c0_i32 = arith.constant 0 : i32
    %c0_i32_0 = arith.constant 0 : i32
    return %arg0, %c0_i32 : i32, i32
  }
  func.func @transform_3(%arg0: i32) -> (i32, i32) {
    %c0_i32 = arith.constant 0 : i32
    %c0_i32_0 = arith.constant 0 : i32
    return %arg0, %c0_i32 : i32, i32
  }
  func.func @transform_4(%arg0: i32) -> (i32, i32) {
    %c0_i32 = arith.constant 0 : i32
    %c0_i32_0 = arith.constant 0 : i32
    return %arg0, %c0_i32 : i32, i32
  }
  func.func @transform_5(%arg0: i32) -> (i32, i32) {
    %c0_i32 = arith.constant 0 : i32
    %c0_i32_0 = arith.constant 0 : i32
    return %arg0, %c0_i32 : i32, i32
  }
}

</mosaic_0001>

<sc_bundles>
// kernel: kernel.4.cloned.1.call-start
scs
__scs_entry_jumppad:
0x0: {  	(pc) =	sbr.rel $0x88, $3  }
0x1: {  	(tag) =	ssettag $0x0;
	lr =	simm.s32 $0x1  }
0x2: {  	[smem:$0x3F9F] =	sst lr;
	_ =	strace $0xD0000000  }
0x3: {  	_ = 	snop  }
0x4: {  	_ = 	snop  }
0x5: {  	_ = 	snop  }
0x6: {  	_ = 	snop  }
0x7: {  	_ = 	snop  }
__scs_overlays_trampoline_lowered:
0x8: {  	[smem:$0x3FAE] =	sst s0  }
0x9: {  	[smem:$0x3FAF] =	sst s1  }
0xa: {  	[smem:$0x3FB0] =	sst s2  }
0xb: {  	[smem:$0x3FB1] =	sst s3  }
0xc: {  	[smem:$0x3FB2] =	sst s4  }
0xd: {  	[smem:$0x3FB3] =	sst s5  }
0xe: {  	[smem:$0x3FB4] =	sst s6  }
0xf: {  	[smem:$0x3FB5] =	sst s7  }
0x10: {  	[smem:$0x3FB6] =	sst s8  }
0x11: {  	[smem:$0x3FB7] =	sst s9;
	s0 =	simm.s32 @!p0 $0x0  }
0x12: {  	s1 =	sld [smem:$0x3F9D];
	s0 =	simm.s32 @p0 $0x1  }
0x13: {  	[smem:$0x3FB8] =	sst s0;
	s0 =	simm.s32 @!p1 $0x0  }
0x14: {  	s2 =	sld [smem:$0x3F9C];
	s0 =	simm.s32 @p1 $0x1  }
0x15: {  	[smem:$0x3FB9] =	sst s0;
	s0 =	simm.s32 @!p2 $0x0  }
0x16: {  	s3 =	sld [smem:$0x3FDB];
	s0 =	simm.s32 @p2 $0x1  }
0x17: {  	s4 =	simm.s32 $0x1BF5;
	[smem:$0x3FBB] =	sst s0  }
0x18: {  	s0 =	sld [smem:$0x3F9E];
	_ =	swait.ge [sflag:s4], $0x0  }
0x19: {  	s7 =	sld [smem:$0x3F9F]  }
0x1a: {  	s8 =	sadd.s32 $0xFFFFE003, lr  }
0x1b: {  	s9 =	sadd.s32 $0xFFFFFEF7, lr;
	s5 =	simm.s32 $0xFFFFFFFF;
	p2 =	slt.u32 s8, $0xFFFFF086  }
0x1c: {  	p1 =	slt.u32 s9, $0xF7A;
	s5 =	simm.s32 @!p2 $0x0  }
0x1d: {  	s5 =	simm.s32 @p1 $0x1;
	p0 =	seq.s32 s7, s2  }
0x1e: {  	s7 =	smul.u32 @!p0 $0xF7A, s2;
	p2 =	seq.s32 @!p0 s5, $0x0  }
0x1f: {  	s9 =	smul.u32 $0xF7A, s1;
	s8 =	simm.s32 @!p0 $0x1BF5;
	p2 =	por !p2, p0  }
0x20: {  	[sflag:s8] =	ssyncset.s32 @!p0 $0xFFFFF086;
	s6 =	sadd.s32 @!p0 s3, s7;
	s7 =	simm.s32 @!p0 $0x108  }
0x21: {  	s3 =	sadd.s32 s3, s9;
	s6 =	sadd.s32 @!p0 $0x88, s6;
	s7 =	simm.s32 @p2 $0x1082  }
0x22: {  	[simem:s7], [sflag:s8] =	dma.local @!p0 [hbm:s6], $0xF7A  }
0x23: {  	s9 =	sor.u32 $0xD0000000, s2;
	s6 =	simm.s32 $0x108;
	_ =	swait.ge @!p0 [sflag:s8], $0x0  }
0x24: {  	s3 =	sadd.s32 $0x88, s3;
	s6 =	simm.s32 @!p1 $0x1082;
	[sflag:s4] =	ssyncset.s32 $0xFFFFF086  }
0x25: {  	[simem:s6], [sflag:s4] =	dma.local [hbm:s3], $0xF7A  }
0x26: {  	[smem:$0x3F9F] =	sst s1;
	(tag) =	ssettag s2;
	_ =	strace s9  }
0x27: {  	s1 =	sld [smem:$0x3FAF]  }
0x28: {  	s2 =	sld [smem:$0x3FB0]  }
0x29: {  	s4 =	sld [smem:$0x3FB2]  }
0x2a: {  	p0 =	seq.s32 s5, $0x0;
	s5 =	sld [smem:$0x3FB3]  }
0x2b: {  	s6 =	sld [smem:$0x3FB4]  }
0x2c: {  	s7 =	sld [smem:$0x3FB5]  }
0x2d: {  	s3 =	simm.s32 $0x108;
	s8 =	sld [smem:$0x3FB6]  }
0x2e: {  	s3 =	simm.s32 @!p0 $0x1082;
	s9 =	sld [smem:$0x3FB7]  }
0x2f: {  	lr =	sadd.s32 s0, s3;
	s0 =	sld [smem:$0x3FAE]  }
0x30: {  	s3 =	sld [smem:$0x3FB1]  }
0x31: {  	[smem:$0x3FBA] =	sst s10  }
0x32: {  	s10 =	sld [smem:$0x3FB8];
	_ =	sdelay $0x3  }
0x33: {  	p0 =	seq.s32 s10, $0x1;
	s10 =	sld [smem:$0x3FBA];
	_ =	sdelay $0x3  }
0x34: {  	[smem:$0x3FBA] =	sst s10  }
0x35: {  	s10 =	sld [smem:$0x3FB9];
	_ =	sdelay $0x3  }
0x36: {  	p1 =	seq.s32 s10, $0x1;
	s10 =	sld [smem:$0x3FBA];
	_ =	sdelay $0x3  }
0x37: {  	[smem:$0x3FBA] =	sst s10  }
0x38: {  	s10 =	sld [smem:$0x3FBB]  }
0x39: {  	_ = 	snop;
	(pc) =	sbr.ind lr, $3  }
0x3a: {  	_ = 	snop  }
0x3b: {  	_ = 	snop  }
0x3c: {  	p2 =	seq.s32 s10, $0x1;
	s10 =	sld [smem:$0x3FBA]  }
0x3d: {  	_ =	shalt  }
0x3e: {  	_ =	shalt  }
0x3f: {  	_ =	shalt  }
0x40: {  	_ =	shalt  }
0x41: {  	_ =	shalt  }
0x42: {  	_ =	shalt  }
0x43: {  	_ =	shalt  }
0x44: {  	_ =	shalt  }
0x45: {  	_ =	shalt  }
0x46: {  	_ =	shalt  }
0x47: {  	_ =	shalt  }
0x48: {  	_ =	shalt  }
0x49: {  	_ =	shalt  }
0x4a: {  	_ =	shalt  }
0x4b: {  	_ =	shalt  }
0x4c: {  	_ =	shalt  }
0x4d: {  	_ =	shalt  }
0x4e: {  	_ =	shalt  }
0x4f: {  	_ =	shalt  }
0x50: {  	_ =	shalt  }
0x51: {  	_ =	shalt  }
0x52: {  	_ =	shalt  }
0x53: {  	_ =	shalt  }
0x54: {  	_ =	shalt  }
0x55: {  	_ =	shalt  }
0x56: {  	_ =	shalt  }
0x57: {  	_ =	shalt  }
0x58: {  	_ =	shalt  }
0x59: {  	_ =	shalt  }
0x5a: {  	_ =	shalt  }
0x5b: {  	_ =	shalt  }
0x5c: {  	_ =	shalt  }
0x5d: {  	_ =	shalt  }
0x5e: {  	_ =	shalt  }
0x5f: {  	_ =	shalt  }
0x60: {  	_ =	shalt  }
0x61: {  	_ =	shalt  }
0x62: {  	_ =	shalt  }
0x63: {  	_ =	shalt  }
0x64: {  	_ =	shalt  }
0x65: {  	_ =	shalt  }
0x66: {  	_ =	shalt  }
0x67: {  	_ =	shalt  }
0x68: {  	_ =	shalt  }
0x69: {  	_ =	shalt  }
0x6a: {  	_ =	shalt  }
0x6b: {  	_ =	shalt  }
0x6c: {  	_ =	shalt  }
0x6d: {  	_ =	shalt  }
0x6e: {  	_ =	shalt  }
0x6f: {  	_ =	shalt  }
0x70: {  	_ =	shalt  }
0x71: {  	_ =	shalt  }
0x72: {  	_ =	shalt  }
0x73: {  	_ =	shalt  }
0x74: {  	_ =	shalt  }
0x75: {  	_ =	shalt  }
0x76: {  	_ =	shalt  }
0x77: {  	_ =	shalt  }
0x78: {  	_ =	shalt  }
0x79: {  	_ =	shalt  }
0x7a: {  	_ =	shalt  }
0x7b: {  	_ =	shalt  }
0x7c: {  	_ =	shalt  }
0x7d: {  	_ =	shalt  }
0x7e: {  	_ =	shalt  }
0x7f: {  	_ =	shalt  }
0x80: {  	_ =	shalt  }
0x81: {  	_ =	shalt  }
0x82: {  	_ =	shalt  }
0x83: {  	_ =	shalt  }
0x84: {  	_ =	shalt  }
0x85: {  	_ =	shalt  }
0x86: {  	_ =	shalt  }
0x87: {  	_ =	shalt  }
.Lfunc_end0:
.L_simem_size_0:
called_computation_lowered:
.L_overlay_start_0:
0x88: {  	s2 =	sld [smem:$0x3FD9]  }
0x89: {  	s3 =	sld [smem:$0x3FFE];
	_ =	sdelay $0x1  }
0x8a: {  	s1 =	srdreg.scid  }
0x8b: {  	s0 =	sand.u32 $0x1, s1  }
0x8c: {  	s17 =	sshll.u32 s0, $0xA;
	s2 =	sadd.s32 s3, s2  }
0x8d: {  	s2 =	sadd.s32 s2, s17  }
0x8e: {  	[smem:$0x3FC6] =	sst s2  }
0x8f: {  	_ = 	snop  }
0x90: {  	s2 =	sld [smem:$0x3FC9]  }
0x91: {  	s18 =	sld [smem:$0x3FD0];
	(tm) =	ssettm $0x1  }
0x92: {  	s4 =	sld [smem:$0x3FFB];
	_ =	sdelay $0x3  }
0x93: {  	_ =	strace s4  }
0x94: {  	s4 =	sld [smem:$0x3FFC];
	_ =	sdelay $0x3  }
0x95: {  	_ =	strace s4  }
0x96: {  	s4 =	sld [smem:$0x3FFD];
	_ =	sdelay $0x3  }
0x97: {  	_ =	strace s4  }
0x98: {  	_ =	strace $0x8FFFFFFF  }
0x99: {  	s19 =	sld [smem:$0x3FDB];
	_ =	sdelay $0x1  }
0x9a: {  	s5 =	simm.s32 $_scs_section_size  }
0x9b: {  	s6 =	simm.s32 $_size__tile_overlayer_lowered;
	s7 =	simm.s32 $_tile_overlayer_lowered  }
0x9c: {  	s22 =	simm.s32 $0x1BFF;
	s21 =	sshll.u32 s7, $0x1;
	s4 =	sadd.s32 s5, s19  }
0x9d: {  	s8 =	simm.s32 $0x0;
	s20 =	sshll.u32 s6, $0x1;
	s6 =	sadd.s32 s21, s4  }
0x9e: {  	[timem:s8], [sflag:s22] =	dma.local [hbm:s6], s20  }
0x9f: {  	_ =	swait.ge [sflag:s22], s20  }
0xa0: {  	s5 =	ssub.s32 $0x0, s20;
	[sflag:s22] =	ssyncset.done $0x0  }
0xa1: {  	[sflag:s22] =	ssyncadd.s32 s5;
	_ =	sdelay $0x1  }
0xa2: {  	s23 =	simm.s32 $0x1B8B  }
0xa3: {  	_ =	swait.ge [sflag:s23], $0x1  }
0xa4: {  	[sflag:s23] =	ssyncset.done $0x0  }
0xa5: {  	s25 =	simm.s32 $0x1B8E;
	s24 =	sld [smem:$0x3FFE];
	[sflag:s23] =	ssyncadd.s32 $0xFFFFFFFF  }
0xa6: {  	s26 =	simm.s32 $execute0_lowered;
	[smem:$0x3FD2] =	sst s25  }
0xa7: {  	s6 =	sshll.u32 s26, $0x1;
	_ =	strace $0x80000046;
	[dreg:$0x1] =	wrdreg $0xFFFFFFFF  }
0xa8: {  	s28 =	simm.s32 $_size_execute0_lowered;
	s4 =	sadd.s32 s4, s6;
	[dreg:$0x0] =	wrdreg $0x0  }
0xa9: {  	s6 =	sshll.u32 s28, $0x1;
	[dreg:$0x2] =	wrdreg s4  }
0xaa: {  	[dreg:$0x3] =	wrdreg s6  }
0xab: {  	[dreg:$0x4] =	wrdreg $0xC0  }
0xac: {  	_ =	task [dreg:s8], $0x5FFFF  }
0xad: {  	[dreg:$0x1] =	wrdreg $0xFFFFFFFF  }
0xae: {  	[dreg:$0x0] =	wrdreg $0x60  }
0xaf: {  	[dreg:$0x2] =	wrdreg s2  }
0xb0: {  	[dreg:$0x3] =	wrdreg s24  }
0xb1: {  	[dreg:$0x4] =	wrdreg s18  }
0xb2: {  	[dreg:$0x5] =	wrdreg $0x0  }
0xb3: {  	[dreg:$0x6] =	wrdreg $0x138800  }
0xb4: {  	[dreg:$0x7] =	wrdreg $0x9  }
0xb5: {  	_ =	task.clear_ibuf [dreg:s8], $0x8FFFF;
	_ =	strace $0x90000046  }
0xb6: {  	s29 =	simm.s32 $0x9;
	_ =	strace $0x80000048  }
0xb7: {  	_ =	swait.ge [sflag:s29], $0x1  }
0xb8: {  	[sflag:s29] =	ssyncadd.s32 $0xFFFFFFFF  }
0xb9: {  	_ =	strace $0x90000048  }
0xba: {  	_ =	sfence  }
0xbb: {  	s30 =	sld [smem:$0x0];
	_ =	sdelay $0x2  }
0xbc: {  	s31 =	sshll.u32 s1, $0xD;
	s1 =	sshrl.u32 s1, $0x2  }
0xbd: {  	s3 =	sand.u32 $0x4000, s31;
	s1 =	sadd.s32 s1, s30  }
0xbe: {  	s0 =	sor.u32 s3, s0;
	s1 =	sshll.u32 s1, $0x11  }
0xbf: {  	s0 =	sor.u32 s1, s0  }
0xc0: {  	s0 =	sadd.s32 $0x8F2B, s0  }
0xc1: {  	[sflag:s0] =	ssyncadd.remote.s32 $0x1  }
0xc2: {  	_ =	sfence.sel $0xFFFF  }
0xc3: {  	[dreg:$0x0] =	wrdreg $0xFFFFFFFF;
	(pc) =	sbr.abs _section_cstart, $3  }
0xc4: {  	[dreg:$0x1] =	wrdreg $0xFFFFFFFF  }
0xc5: {  	_ =	task.clear_ibuf [dreg:s8], $0x2FFFF;
	_ =	strace $0x9FFFFFFF  }
0xc6: {  	(tm) =	ssettm $0x7FFFFFFF  }
0xc7: {  	_ =	shalt  }
tec
execute0_lowered:
.L_overlay_start_1:
0x0: {  	(tag) =	ssettag $0x1  }
0x1: {  	s1 =	rddreg [dreg:$0x0]  }
0x2: {  	s0 =	rddreg [dreg:$0x1]  }
0x3: {  	s14 =	rddreg [dreg:$0x2]  }
0x4: {  	s3 =	rddreg [dreg:$0x3]  }
0x5: {  	s5 =	rddreg [dreg:$0x4]  }
0x6: {  	s2 =	srdreg.scid;
	s15 =	stileid.u32  }
0x7: {  	s6 =	simm.s32 $0x0;
	s31 =	simm.s32 $0x1BB80;
	s4 =	smul.u32 $0x280, s15  }
0x8: {  	s30 =	simm.s32 $0x7;
	s2 =	sand.u32 $0x1, s2;
	s11 =	smul.u32 $0x4E000, s15  }
0x9: {  	[smem:$0x7FF] =	sst s6;
	s16 =	sadd.s32 $0x15C00, s0;
	s20 =	smul.u32 $0x2710, s15  }
0xa: {  	s26 =	sadd.s32 $0x138000, s3;
	s29 =	smul.u32 $0x2700, s15;
	p1 =	sne.s32 s15, $0xF  }
0xb: {  	p2 =	seq.s32 s15, $0xF;
	s7 =	sshll.u32 s2, $0x4;
	_ =	strace $0x80000047  }
0xc: {  	s18 =	ssub.s32 $0x2, s2;
	s19 =	smul.u32 $0x27100, s2;
	s8 =	sor.u32 s15, s7  }
0xd: {  	[dreg:$0x12] =	wrdreg s26;
	s10 =	sshrl.u32 s18, $0x1;
	s8 =	smul.u32 $0x2710, s8  }
0xe: {  	[dreg:$0x9] =	wrdreg s16;
	s7 =	sadd.s32 $0x1600, s0;
	s10 =	ssub.s32 s18, s10  }
0xf: {  	s9 =	sshrl.u32 s4, $0x3;
	s26 =	smax.u32 s10, $0x1;
	s8 =	sshrl.u32 s8, $0x3  }
0x10: {  	s0 =	sadd.s32 s9, s0;
	[dreg:$0x17] =	wrdreg s26;
	s9 =	sadd.s32 s7, s8  }
0x11: {  	p0 =	seq.s32 s2, $0x1;
	s12 =	sadd.s32 $0x9C40, s9;
	[dreg:$0xa] =	wrdreg s9  }
0x12: {  	s11 =	sshrl.u32 s11, $0x2;
	s13 =	sadd.s32 $0x10, s9;
	[dreg:$0xb] =	wrdreg s12  }
0x13: {  	s8 =	sadd.s32 s20, s19;
	s21 =	sadd.s32 $0x9C50, s9;
	[dreg:$0xc] =	wrdreg s13  }
0x14: {  	s10 =	simm.s32 $0x5;
	s25 =	sadd.s32 $0x180, s8;
	[dreg:$0xd] =	wrdreg s21  }
0x15: {  	s13 =	sadd.s32 s11, s3;
	s28 =	sshrl.u32 s25, $0x3;
	s25 =	sadd.s32 s16, s29  }
0x16: {  	s19 =	sadd.s32 s4, s5;
	s11 =	sadd.s32 $0x4000, s13;
	[dreg:$0x15] =	wrdreg s25  }
0x17: {  	s4 =	simm.s32 $0x1C600;
	s22 =	sadd.s32 $0x8000, s13;
	[dreg:$0xe] =	wrdreg s11  }
0x18: {  	s17 =	sadd.s32 $0x4E380, s8;
	s23 =	sadd.s32 $0xC000, s13;
	[dreg:$0xf] =	wrdreg s22  }
0x19: {  	s20 =	sadd.s32 $0x4E300, s8;
	s24 =	sadd.s32 $0x10000, s13;
	[dreg:$0x10] =	wrdreg s23  }
0x1a: {  	s18 =	sshrl.u32 s17, $0x3;
	s2 =	sadd.s32 s28, s7;
	[dreg:$0x11] =	wrdreg s24  }
0x1b: {  	s21 =	sshrl.u32 s20, $0x3;
	s28 =	sadd.s32 $0x4E0, s9;
	[dreg:$0x7] =	wrdreg s2  }
0x1c: {  	s20 =	simm.s32 $0x3;
	s2 =	sadd.s32 s18, s7;
	[dreg:$0x18] =	wrdreg s28  }
0x1d: {  	s17 =	simm.s32 $0x0;
	s22 =	sadd.s32 s14, s29;
	[dreg:$0x8] =	wrdreg s2  }
0x1e: {  	s23 =	sadd.s32 s21, s7;
	s24 =	sadd.s32 $0x15000, s0;
	[dreg:$0x13] =	wrdreg s22  }
.Ltmp0:
0x1f: {  	s0 =	sadd.s32 $0x15600, s0;
	[dreg:$0x6] =	wrdreg s23;
	(pc) =	sbr.rel .LBB2_1-.Ltmp0, $4  }
0x20: {  	s29 =	sadd.s32 $0xA120, s9;
	s21 =	simm.s32 $0x80;
	[dreg:$0x14] =	wrdreg s24  }
0x21: {  	s11 =	simm.s32 $0x6;
	[dreg:$0x16] =	wrdreg s0;
	s24 =	sadd.s32 $0x100, s8  }
0x22: {  	[dreg:$0x19] =	wrdreg s29;
	s0 =	simm.s32 $0x1BC80;
	s2 =	simm.s32 $0x13B00  }
0x23: {  	v0 =	vimm.f32 $1.000000000e+00;
	v1 =	vimm.f32 $0.0e+00;
	s22 =	simm.s32 $0x4;
	s8 =	simm.s32 $0x17B00;
	s23 =	simm.s32 $0x1  }
.LBB2_8:
0x24: {  	s12 =	rddreg [dreg:$0x12]  }
0x25: {  	s9 =	sadd.s32 $0x27000, s26;
	s12 =	sshrl.u32 s12, $0x3  }
0x26: {  	[hbm:s9], [sflag:s25] =	dma.local [spmem:s12], $0x100  }
0x27: {  	_ =	swait.ge [sflag:s30], $0x100  }
0x28: {  	[sflag:s30] =	ssyncset.done $0x0  }
0x29: {  	[sflag:s30] =	ssyncadd.s32 $0xFFFFFF00  }
.LBB2_9:
0x2a: {  	s17 =	sadd.s32 $0x1, s17;
	s9 =	rddreg [dreg:$0x17]  }
0x2b: {  	p3 =	sne.s32 s17, s9  }
.Ltmp1:
0x2c: {  	_ = 	snop;
	(pc) =	sbr.rel @!p3 .LBB2_10-.Ltmp1, $1  }
0x2d: {  	_ =	sdelay $0x3  }
.LBB2_1:
0x2e: {  	[tilespmem:$0x1C600] =	vst v0  }
0x2f: {  	[tilespmem:$0x1C610] =	vst v0  }
0x30: {  	[tilespmem:$0x1C620] =	vst v0  }
0x31: {  	[tilespmem:$0x1C630] =	vst v0  }
0x32: {  	[tilespmem:$0x1C640] =	vst v0  }
0x33: {  	[tilespmem:$0x1C650] =	vst v0  }
0x34: {  	[tilespmem:$0x1C660] =	vst v0  }
0x35: {  	[tilespmem:$0x1C670] =	vst v0  }
0x36: {  	[tilespmem:$0x1C680] =	vst v1  }
0x37: {  	[tilespmem:$0x1C690] =	vst v1  }
0x38: {  	[tilespmem:$0x1C6A0] =	vst v1  }
0x39: {  	[tilespmem:$0x1C6B0] =	vst v1  }
0x3a: {  	[tilespmem:$0x1C6C0] =	vst v1  }
0x3b: {  	[tilespmem:$0x1C6D0] =	vst v1  }
0x3c: {  	[tilespmem:$0x1C6E0] =	vst v1  }
0x3d: {  	[tilespmem:$0x1C6F0] =	vst v1  }
0x3e: {  	[tilespmem:$0x1C700] =	vst v1  }
0x3f: {  	[tilespmem:$0x1C710] =	vst v1  }
0x40: {  	[tilespmem:$0x1C720] =	vst v1  }
0x41: {  	[tilespmem:$0x1C730] =	vst v1  }
0x42: {  	[tilespmem:$0x1C740] =	vst v1  }
0x43: {  	[tilespmem:$0x1C750] =	vst v1  }
0x44: {  	[tilespmem:$0x1C760] =	vst v1  }
0x45: {  	[tilespmem:$0x1C770] =	vst v1  }
0x46: {  	[tilespmem:$0x1C780] =	vst v1  }
0x47: {  	[tilespmem:$0x1C790] =	vst v1  }
0x48: {  	[tilespmem:$0x1C7A0] =	vst v1  }
0x49: {  	[tilespmem:$0x1C7B0] =	vst v1  }
0x4a: {  	[tilespmem:$0x1C7C0] =	vst v1  }
0x4b: {  	[tilespmem:$0x1C7D0] =	vst v1  }
0x4c: {  	[tilespmem:$0x1C7E0] =	vst v1  }
0x4d: {  	[tilespmem:$0x1C7F0] =	vst v1  }
0x4e: {  	[tilespmem:$0x1C800] =	vst v1  }
0x4f: {  	[tilespmem:$0x1C810] =	vst v1  }
0x50: {  	[tilespmem:$0x1C820] =	vst v1  }
0x51: {  	[tilespmem:$0x1C830] =	vst v1  }
0x52: {  	[tilespmem:$0x1C840] =	vst v1  }
0x53: {  	[tilespmem:$0x1C850] =	vst v1  }
0x54: {  	[tilespmem:$0x1C860] =	vst v1  }
0x55: {  	[tilespmem:$0x1C870] =	vst v1  }
0x56: {  	[tilespmem:$0x1C880] =	vst v1  }
0x57: {  	[tilespmem:$0x1C890] =	vst v1  }
0x58: {  	[tilespmem:$0x1C8A0] =	vst v1  }
0x59: {  	[tilespmem:$0x1C8B0] =	vst v1  }
0x5a: {  	[tilespmem:$0x1C8C0] =	vst v1  }
0x5b: {  	[tilespmem:$0x1C8D0] =	vst v1  }
0x5c: {  	[tilespmem:$0x1C8E0] =	vst v1  }
0x5d: {  	[tilespmem:$0x1C8F0] =	vst v1;
	s25 =	simm.s32 $0x0;
	s26 =	simm.s32 $0x200  }
.LBB2_2:
0x5e: {  	p3 =	sne.s32 s26, $0xFE00;
	[tilespmem:s25+$0x13B70] =	vst v1  }
0x5f: {  	[tilespmem:s25+$0x13B00] =	vst v1  }
0x60: {  	[tilespmem:s25+$0x13B10] =	vst v1  }
.Ltmp2:
0x61: {  	[tilespmem:s25+$0x13B20] =	vst v1;
	(pc) =	sbr.rel @p3 .LBB2_2-.Ltmp2, $4  }
0x62: {  	[tilespmem:s25+$0x13B30] =	vst v1  }
0x63: {  	[tilespmem:s25+$0x13B40] =	vst v1  }
0x64: {  	[tilespmem:s25+$0x13B50] =	vst v1  }
0x65: {  	[tilespmem:s25+$0x13B60] =	vst v1;
	s25 =	sshra.s32 s26, $0x2;
	s26 =	sadd.s32 $0x200, s26  }
0x66: {  	[tilespmem:s25+$0x13B70] =	vst v1  }
0x67: {  	[tilespmem:s25+$0x13B00] =	vst v1  }
0x68: {  	[tilespmem:s25+$0x13B10] =	vst v1  }
0x69: {  	[tilespmem:s25+$0x13B20] =	vst v1  }
0x6a: {  	[tilespmem:s25+$0x13B30] =	vst v1  }
0x6b: {  	[tilespmem:s25+$0x13B40] =	vst v1  }
0x6c: {  	[tilespmem:s25+$0x13B50] =	vst v1  }
0x6d: {  	[tilespmem:s25+$0x13B60] =	vst v1;
	s9 =	rddreg [dreg:$0xa];
	s12 =	simm.s32 $0x1BB00  }
0x6e: {  	[tilespmem:s12], [sflag:$0x3] =	stream.linear.gather [hbm4b:s9+s6], $0x80, $0x38;
	[tilespmem:$0x1C900] =	vst v63  }
0x6f: {  	s28 =	rddreg [dreg:$0xb];
	s14 =	simm.s32 $0x1BC00  }
0x70: {  	[tilespmem:s14], [sflag:$0x3] =	stream.linear.gather [hbm4b:s28+s6], $0x80, $0x38;
	[tilespmem:$0x1C900] =	vst v63  }
0x71: {  	s14 =	rddreg [dreg:$0xc]  }
0x72: {  	[tilespmem:s31], [sflag:$0x4] =	stream.linear.gather [hbm4b:s14+s6], $0x80, $0x38;
	[tilespmem:$0x1C900] =	vst v63  }
0x73: {  	s15 =	rddreg [dreg:$0xd]  }
0x74: {  	[tilespmem:s0], [sflag:$0x4] =	stream.linear.gather [hbm4b:s15+s6], $0x80, $0x38;
	[tilespmem:$0x1C900] =	vst v63  }
0x75: {  	_ = 	snop  }
0x76: {  	[spmem:s13] =	stream.linear.scatter [tilespmem:s2], [sflag:$0x7], $0x4000, $0x38;
	[tilespmem:$0x1C900] =	vst v63  }
0x77: {  	_ =	swait.ge [sflag:s30], $0x4000  }
0x78: {  	[sflag:s30] =	ssyncset.done $0x0  }
0x79: {  	s16 =	rddreg [dreg:$0xe];
	[sflag:s30] =	ssyncadd.s32 $0xFFFFC000  }
0x7a: {  	[spmem:s16] =	stream.linear.scatter [tilespmem:s2], [sflag:$0x7], $0x4000, $0x38;
	[tilespmem:$0x1C900] =	vst v63  }
0x7b: {  	_ =	swait.ge [sflag:s30], $0x4000  }
0x7c: {  	[sflag:s30] =	ssyncset.done $0x0  }
0x7d: {  	s18 =	rddreg [dreg:$0xf];
	[sflag:s30] =	ssyncadd.s32 $0xFFFFC000  }
0x7e: {  	[spmem:s18] =	stream.linear.scatter [tilespmem:s2], [sflag:$0x7], $0x4000, $0x38;
	[tilespmem:$0x1C900] =	vst v63  }
0x7f: {  	_ =	swait.ge [sflag:s30], $0x4000  }
0x80: {  	[sflag:s30] =	ssyncset.done $0x0  }
0x81: {  	s25 =	rddreg [dreg:$0x10];
	[sflag:s30] =	ssyncadd.s32 $0xFFFFC000  }
0x82: {  	[spmem:s25] =	stream.linear.scatter [tilespmem:s2], [sflag:$0x7], $0x4000, $0x38;
	[tilespmem:$0x1C900] =	vst v63  }
0x83: {  	_ =	swait.ge [sflag:s30], $0x4000  }
0x84: {  	[sflag:s30] =	ssyncset.done $0x0  }
0x85: {  	s26 =	rddreg [dreg:$0x11];
	[sflag:s30] =	ssyncadd.s32 $0xFFFFC000  }
0x86: {  	[spmem:s26] =	stream.linear.scatter [tilespmem:s2], [sflag:$0x7], $0x3800, $0x38;
	[tilespmem:$0x1C900] =	vst v63  }
0x87: {  	_ =	swait.ge [sflag:s30], $0x3800  }
0x88: {  	[sflag:s30] =	ssyncset.done $0x0  }
0x89: {  	s25 =	simm.s32 @!p1 $0x13B00;
	s9 =	rddreg [dreg:$0x12];
	[sflag:s30] =	ssyncadd.s32 $0xFFFFC800  }
0x8a: {  	[spmem:s9] =	stream.linear.scatter @!p1 [tilespmem:s25], [sflag:$0x7], $0x800, $0x38;
	[tilespmem:$0x1C900] =	vst v63  }
0x8b: {  	s25 =	simm.s32 @!p1 $0x7  }
0x8c: {  	_ =	swait.ge @!p1 [sflag:s25], $0x800  }
0x8d: {  	[sflag:s25] =	ssyncset.done @!p1 $0x0  }
0x8e: {  	s28 =	simm.s32 $0x1C680;
	[sflag:s25] =	ssyncadd.s32 @!p1 $0xFFFFF800  }
0x8f: {  	[spmem:s19] =	stream.linear.scatter [tilespmem:s28], [sflag:$0x7], $0x280, $0x38;
	[tilespmem:$0x1C900] =	vst v63  }
0x90: {  	_ =	swait.ge [sflag:s30], $0x280  }
0x91: {  	[sflag:s30] =	ssyncset.done $0x0  }
0x92: {  	[sflag:s30] =	ssyncadd.s32 $0xFFFFFD80  }
0x93: {  	_ =	swait.ge [sflag:s20], $0x80  }
0x94: {  	[sflag:s20] =	ssyncset.done $0x0  }
0x95: {  	[sflag:s20] =	ssyncadd.s32 $0xFFFFFF80  }
0x96: {  	_ =	swait.ge [sflag:s20], $0x80  }
0x97: {  	[sflag:s20] =	ssyncset.done $0x0  }
0x98: {  	[sflag:s20] =	ssyncadd.s32 $0xFFFFFF80  }
0x99: {  	[tilespmem:s2], [sflag:$0x1] =	stream.indirect.gather [hbm4b:s1+s21], $0x80, s12, s21, $0xb8;
	[tilespmem:$0x1C900] =	vst v63  }
0x9a: {  	[bflag:$0x0] =	sbarrier.arrive $0xFFFF  }
0x9b: {  	_ =	swait.ge [sflag:s22], $0x80  }
0x9c: {  	[sflag:s22] =	ssyncset.done $0x0  }
0x9d: {  	[sflag:s22] =	ssyncadd.s32 $0xFFFFFF80  }
0x9e: {  	_ =	swait.ge [sflag:s22], $0x80  }
0x9f: {  	[sflag:s22] =	ssyncset.done $0x0  }
0xa0: {  	p3 =	por $0x1, $0x1;
	[sflag:s22] =	ssyncadd.s32 $0xFFFFFF80  }
0xa1: {  	[tilespmem:s8], [sflag:$0x2] =	stream.indirect.gather [hbm4b:s1+s21], $0x80, s31, s21, $0xb8;
	[tilespmem:$0x1C900] =	vst v63  }
0xa2: {  	s29 =	simm.s32 @p3 $0x1BB00;
	_ =	swait.ge [sflag:s23], $0x4000  }
0xa3: {  	s25 =	simm.s32 @p3 $0x0;
	s28 =	sshrl.u32 @p3 s24, $0x3;
	[sflag:s23] =	ssyncset.done $0x0  }
0xa4: {  	s28 =	sadd.s32 @p3 s7, s28;
	s26 =	rddreg [dreg:$0x6];
	[sflag:s23] =	ssyncadd.s32 $0xFFFFC000  }
0xa5: {  	[tilespmem:s29], [sflag:$0x3] =	stream.linear.gather @p3 [hbm4b:s28+s25], $0x80, $0x38;
	[tilespmem:$0x1C900] =	vst v63  }
0xa6: {  	s26 =	sadd.s32 @p3 $0x0, s26;
	s28 =	simm.s32 @p3 $0x1BC00  }
0xa7: {  	[tilespmem:s28], [sflag:$0x3] =	stream.linear.gather @p3 [hbm4b:s26+s25], $0x80, $0x38;
	[tilespmem:$0x1C900] =	vst v63  }
0xa8: {  	s12 =	simm.s32 @p3 $0x13B00;
	s26 =	simm.s32 @p3 $0x80  }
0xa9: {  	[spmem:s3] =	stream.indirect.scatter.add.f32 @p3 [tilespmem:s12], [sflag:$0x5], $0x80, s28, s26, $0xb8;
	[tilespmem:$0x1C900] =	vst v63  }
0xaa: {  	s16 =	simm.s32 @p3 $0x1C600  }
0xab: {  	[spmem:s5] =	stream.indirect.scatter.add.f32 @p3 [tilespmem:s16], [sflag:$0x6], $0x1, s28, s26, $0xb8;
	[tilespmem:$0x1C900] =	vst v63  }
0xac: {  	s16 =	simm.s32 @p3 $0x5  }
0xad: {  	_ =	swait.ge @p3 [sflag:s16], $0x4000  }
0xae: {  	[sflag:s16] =	ssyncset.done @p3 $0x0  }
0xaf: {  	[sflag:s16] =	ssyncadd.s32 @p3 $0xFFFFC000;
	s16 =	simm.s32 @p3 $0x6  }
0xb0: {  	_ =	swait.ge @p3 [sflag:s16], $0x80  }
0xb1: {  	[sflag:s16] =	ssyncset.done @p3 $0x0  }
0xb2: {  	[sflag:s16] =	ssyncadd.s32 @p3 $0xFFFFFF80;
	s16 =	simm.s32 @p3 $0x3  }
0xb3: {  	_ =	swait.ge @p3 [sflag:s16], $0x80  }
0xb4: {  	[sflag:s16] =	ssyncset.done @p3 $0x0  }
0xb5: {  	[sflag:s16] =	ssyncadd.s32 @p3 $0xFFFFFF80  }
0xb6: {  	_ =	swait.ge @p3 [sflag:s16], $0x80  }
0xb7: {  	[sflag:s16] =	ssyncset.done @p3 $0x0  }
0xb8: {  	[sflag:s16] =	ssyncadd.s32 @p3 $0xFFFFFF80  }
0xb9: {  	[tilespmem:s12], [sflag:$0x1] =	stream.indirect.gather @p3 [hbm4b:s1+s26], $0x80, s29, s26, $0xb8;
	[tilespmem:$0x1C900] =	vst v63  }
0xba: {  	s12 =	simm.s32 @p3 $0x2  }
0xbb: {  	_ =	swait.ge @p3 [sflag:s12], $0x4000  }
0xbc: {  	s16 =	rddreg [dreg:$0x7]  }
0xbd: {  	[sflag:s12] =	ssyncset.done @p3 $0x0;
	s26 =	rddreg [dreg:$0x8]  }
0xbe: {  	[sflag:s12] =	ssyncadd.s32 @p3 $0xFFFFC000;
	s12 =	sadd.s32 @p3 $0x0, s16;
	s16 =	simm.s32 @p3 $0x1BB80  }
0xbf: {  	[tilespmem:s16], [sflag:$0x4] =	stream.linear.gather @p3 [hbm4b:s12+s25], $0x80, $0x38;
	[tilespmem:$0x1C900] =	vst v63  }
0xc0: {  	s12 =	simm.s32 @p3 $0x1BC80;
	s16 =	sadd.s32 @p3 $0x0, s26  }
0xc1: {  	[tilespmem:s12], [sflag:$0x4] =	stream.linear.gather @p3 [hbm4b:s16+s25], $0x80, $0x38;
	[tilespmem:$0x1C900] =	vst v63  }
0xc2: {  	s12 =	simm.s32 @!p3 $0x13B00;
	s16 =	simm.s32 @!p3 $0x80;
	s25 =	simm.s32 @!p3 $0x1BC00  }
0xc3: {  	[spmem:s3] =	stream.indirect.scatter.add.f32 @!p3 [tilespmem:s12], [sflag:$0x5], $0x80, s25, s16, $0xb8;
	[tilespmem:$0x1C900] =	vst v63  }
0xc4: {  	s12 =	simm.s32 @!p3 $0x1C600  }
0xc5: {  	[spmem:s5] =	stream.indirect.scatter.add.f32 @!p3 [tilespmem:s12], [sflag:$0x6], $0x1, s25, s16, $0xb8;
	[tilespmem:$0x1C900] =	vst v63  }
0xc6: {  	s12 =	simm.s32 @!p3 $0x5  }
0xc7: {  	_ =	swait.ge @!p3 [sflag:s12], $0x4000  }
0xc8: {  	[sflag:s12] =	ssyncset.done @!p3 $0x0  }
0xc9: {  	s16 =	simm.s32 @!p3 $0x6;
	[sflag:s12] =	ssyncadd.s32 @!p3 $0xFFFFC000  }
0xca: {  	_ =	swait.ge @!p3 [sflag:s16], $0x80  }
0xcb: {  	[sflag:s16] =	ssyncset.done @!p3 $0x0  }
0xcc: {  	s12 =	simm.s32 @!p3 $0x2;
	[sflag:s16] =	ssyncadd.s32 @!p3 $0xFFFFFF80  }
0xcd: {  	_ =	swait.ge @!p3 [sflag:s12], $0x4000  }
0xce: {  	[sflag:s12] =	ssyncset.done @!p3 $0x0  }
0xcf: {  	[sflag:s12] =	ssyncadd.s32 @!p3 $0xFFFFC000  }
0xd0: {  	[spmem:s3] =	stream.indirect.scatter.add.f32 [tilespmem:s8], [sflag:$0x5], $0x80, s0, s21, $0xb8;
	[tilespmem:$0x1C900] =	vst v63  }
0xd1: {  	_ = 	snop  }
0xd2: {  	[spmem:s5] =	stream.indirect.scatter.add.f32 [tilespmem:s4], [sflag:$0x6], $0x1, s0, s21, $0xb8;
	[tilespmem:$0x1C900] =	vst v63  }
0xd3: {  	_ =	swait.ge [sflag:s10], $0x4000  }
0xd4: {  	[sflag:s10] =	ssyncset.done $0x0  }
0xd5: {  	[sflag:s10] =	ssyncadd.s32 $0xFFFFC000  }
0xd6: {  	s29 =	simm.s32 $0x20;
	s25 =	smov.u32 s24;
	_ =	swait.ge [sflag:s11], $0x80  }
.LBB2_4:
0xd7: {  	[sflag:s11] =	ssyncset.done $0x0  }
0xd8: {  	[sflag:s11] =	ssyncadd.s32 $0xFFFFFF80  }
0xd9: {  	_ =	swait.ge [sflag:s22], $0x80  }
0xda: {  	[sflag:s22] =	ssyncset.done $0x0  }
0xdb: {  	[sflag:s22] =	ssyncadd.s32 $0xFFFFFF80  }
0xdc: {  	_ =	swait.ge [sflag:s22], $0x80  }
0xdd: {  	s26 =	smov.u32 s29;
	[sflag:s22] =	ssyncset.done $0x0  }
0xde: {  	p4 =	sne.s32 s26, $0x4C0;
	[sflag:s22] =	ssyncadd.s32 $0xFFFFFF80  }
0xdf: {  	[tilespmem:s8], [sflag:$0x2] =	stream.indirect.gather [hbm4b:s1+s21], $0x80, s31, s21, $0xb8;
	[tilespmem:$0x1C900] =	vst v63  }
0xe0: {  	s25 =	sadd.s32 $0x100, s25;
	s28 =	simm.s32 @p4 $0x0;
	_ =	swait.ge [sflag:s23], $0x4000  }
0xe1: {  	s16 =	sshrl.u32 @p4 s25, $0x3;
	s9 =	simm.s32 @p4 $0x1BB00;
	[sflag:s23] =	ssyncset.done $0x0  }
0xe2: {  	s16 =	sadd.s32 @p4 s7, s16;
	s12 =	rddreg [dreg:$0x6];
	[sflag:s23] =	ssyncadd.s32 $0xFFFFC000  }
0xe3: {  	[tilespmem:s9], [sflag:$0x3] =	stream.linear.gather @p4 [hbm4b:s16+s28], $0x80, $0x38;
	[tilespmem:$0x1C900] =	vst v63  }
0xe4: {  	s18 =	simm.s32 @p4 $0x1BC00;
	s12 =	sadd.s32 @p4 s26, s12  }
0xe5: {  	[tilespmem:s18], [sflag:$0x3] =	stream.linear.gather @p4 [hbm4b:s12+s28], $0x80, $0x38;
	[tilespmem:$0x1C900] =	vst v63  }
0xe6: {  	s14 =	simm.s32 @p4 $0x13B00;
	s16 =	simm.s32 @p4 $0x80  }
0xe7: {  	[spmem:s3] =	stream.indirect.scatter.add.f32 @p4 [tilespmem:s14], [sflag:$0x5], $0x80, s18, s16, $0xb8;
	[tilespmem:$0x1C900] =	vst v63  }
0xe8: {  	s15 =	simm.s32 @p4 $0x5;
	s12 =	simm.s32 @p4 $0x1C600  }
0xe9: {  	[spmem:s5] =	stream.indirect.scatter.add.f32 @p4 [tilespmem:s12], [sflag:$0x6], $0x1, s18, s16, $0xb8;
	[tilespmem:$0x1C900] =	vst v63  }
0xea: {  	_ =	swait.ge @p4 [sflag:s15], $0x4000  }
0xeb: {  	[sflag:s15] =	ssyncset.done @p4 $0x0  }
0xec: {  	s12 =	simm.s32 @p4 $0x6;
	[sflag:s15] =	ssyncadd.s32 @p4 $0xFFFFC000  }
0xed: {  	_ =	swait.ge @p4 [sflag:s12], $0x80  }
0xee: {  	[sflag:s12] =	ssyncset.done @p4 $0x0  }
0xef: {  	s15 =	simm.s32 @p4 $0x3;
	[sflag:s12] =	ssyncadd.s32 @p4 $0xFFFFFF80  }
0xf0: {  	_ =	swait.ge @p4 [sflag:s15], $0x80  }
0xf1: {  	[sflag:s15] =	ssyncset.done @p4 $0x0  }
0xf2: {  	[sflag:s15] =	ssyncadd.s32 @p4 $0xFFFFFF80  }
0xf3: {  	_ =	swait.ge @p4 [sflag:s15], $0x80  }
0xf4: {  	[sflag:s15] =	ssyncset.done @p4 $0x0  }
0xf5: {  	s12 =	simm.s32 @p4 $0x2;
	[sflag:s15] =	ssyncadd.s32 @p4 $0xFFFFFF80  }
0xf6: {  	[tilespmem:s14], [sflag:$0x1] =	stream.indirect.gather @p4 [hbm4b:s1+s16], $0x80, s9, s16, $0xb8;
	[tilespmem:$0x1C900] =	vst v63  }
0xf7: {  	_ =	swait.ge @p4 [sflag:s12], $0x4000  }
0xf8: {  	s15 =	simm.s32 @p4 $0x1BB80;
	s9 =	rddreg [dreg:$0x7];
	[sflag:s12] =	ssyncset.done @p4 $0x0  }
0xf9: {  	s14 =	rddreg [dreg:$0x8];
	[sflag:s12] =	ssyncadd.s32 @p4 $0xFFFFC000;
	s9 =	sadd.s32 @p4 s26, s9  }
0xfa: {  	[tilespmem:s15], [sflag:$0x4] =	stream.linear.gather @p4 [hbm4b:s9+s28], $0x80, $0x38;
	[tilespmem:$0x1C900] =	vst v63  }
0xfb: {  	s16 =	simm.s32 @p4 $0x1BC80;
	s9 =	sadd.s32 @p4 s26, s14  }
0xfc: {  	[tilespmem:s16], [sflag:$0x4] =	stream.linear.gather @p4 [hbm4b:s9+s28], $0x80, $0x38;
	[tilespmem:$0x1C900] =	vst v63  }
0xfd: {  	s12 =	simm.s32 @!p4 $0x13B00;
	s14 =	simm.s32 @!p4 $0x80;
	s15 =	simm.s32 @!p4 $0x1BC00  }
0xfe: {  	[spmem:s3] =	stream.indirect.scatter.add.f32 @!p4 [tilespmem:s12], [sflag:$0x5], $0x80, s15, s14, $0xb8;
	[tilespmem:$0x1C900] =	vst v63  }
0xff: {  	s9 =	simm.s32 @!p4 $0x1C600;
	s12 =	simm.s32 @!p4 $0x5  }
0x100: {  	[spmem:s5] =	stream.indirect.scatter.add.f32 @!p4 [tilespmem:s9], [sflag:$0x6], $0x1, s15, s14, $0xb8;
	[tilespmem:$0x1C900] =	vst v63  }
0x101: {  	_ =	swait.ge @!p4 [sflag:s12], $0x4000  }
0x102: {  	[sflag:s12] =	ssyncset.done @!p4 $0x0  }
0x103: {  	s9 =	simm.s32 @!p4 $0x6;
	[sflag:s12] =	ssyncadd.s32 @!p4 $0xFFFFC000  }
0x104: {  	_ =	swait.ge @!p4 [sflag:s9], $0x80  }
0x105: {  	[sflag:s9] =	ssyncset.done @!p4 $0x0  }
0x106: {  	s12 =	simm.s32 @!p4 $0x2;
	[sflag:s9] =	ssyncadd.s32 @!p4 $0xFFFFFF80  }
0x107: {  	_ =	swait.ge @!p4 [sflag:s12], $0x4000  }
0x108: {  	[sflag:s12] =	ssyncset.done @!p4 $0x0  }
0x109: {  	s29 =	sadd.s32 $0x20, s29;
	[sflag:s12] =	ssyncadd.s32 @!p4 $0xFFFFC000  }
0x10a: {  	[spmem:s3] =	stream.indirect.scatter.add.f32 [tilespmem:s8], [sflag:$0x5], $0x80, s0, s21, $0xb8;
	[tilespmem:$0x1C900] =	vst v63  }
0x10b: {  	p3 =	sne.s32 s29, $0x4E0  }
0x10c: {  	[spmem:s5] =	stream.indirect.scatter.add.f32 [tilespmem:s4], [sflag:$0x6], $0x1, s0, s21, $0xb8;
	[tilespmem:$0x1C900] =	vst v63  }
.Ltmp3:
0x10d: {  	_ = 	snop;
	(pc) =	sbr.rel @p3 .LBB2_4-.Ltmp3, $4  }
0x10e: {  	_ =	swait.ge [sflag:s10], $0x4000  }
0x10f: {  	[sflag:s10] =	ssyncset.done $0x0  }
0x110: {  	[sflag:s10] =	ssyncadd.s32 $0xFFFFC000  }
0x111: {  	_ =	swait.ge [sflag:s11], $0x80  }
0x112: {  	[sflag:s11] =	ssyncset.done $0x0  }
0x113: {  	s9 =	rddreg [dreg:$0x18];
	s12 =	simm.s32 $0x1C500;
	[sflag:s11] =	ssyncadd.s32 $0xFFFFFF80  }
0x114: {  	[tilespmem:s12], [sflag:$0x7] =	stream.linear.gather [hbm4b:s9+s6], $0x10, $0x38;
	[tilespmem:$0x1C900] =	vst v63  }
0x115: {  	_ =	swait.ge [sflag:s30], $0x10  }
0x116: {  	[sflag:s30] =	ssyncset.done $0x0  }
0x117: {  	s14 =	simm.s32 $0x1C580;
	s25 =	rddreg [dreg:$0x19];
	[sflag:s30] =	ssyncadd.s32 $0xFFFFFFF0  }
0x118: {  	[tilespmem:s14], [sflag:$0x7] =	stream.linear.gather [hbm4b:s25+s6], $0x10, $0x38;
	[tilespmem:$0x1C900] =	vst v63  }
0x119: {  	_ =	swait.ge [sflag:s30], $0x10  }
0x11a: {  	[sflag:s30] =	ssyncset.done $0x0  }
0x11b: {  	s26 =	simm.s32 $0x10;
	s15 =	simm.s32 $0x1BD00;
	[sflag:s30] =	ssyncadd.s32 $0xFFFFFFF0  }
0x11c: {  	[tilespmem:s15], [sflag:$0x7] =	stream.indirect.gather [hbm4b:s1+s26], $0x80, s12, s26, $0xb8;
	[tilespmem:$0x1C900] =	vst v63  }
0x11d: {  	_ =	swait.ge [sflag:s30], $0x800  }
0x11e: {  	[sflag:s30] =	ssyncset.done $0x0  }
0x11f: {  	[sflag:s30] =	ssyncadd.s32 $0xFFFFF800  }
0x120: {  	[spmem:s3] =	stream.indirect.scatter.add.f32 [tilespmem:s15], [sflag:$0x7], $0x80, s14, s26, $0xb8;
	[tilespmem:$0x1C900] =	vst v63  }
0x121: {  	_ =	swait.ge [sflag:s30], $0x800  }
0x122: {  	[sflag:s30] =	ssyncset.done $0x0  }
0x123: {  	[sflag:s30] =	ssyncadd.s32 $0xFFFFF800  }
0x124: {  	[spmem:s5] =	stream.indirect.scatter.add.f32 [tilespmem:s4], [sflag:$0x7], $0x1, s14, s26, $0xb8;
	[tilespmem:$0x1C900] =	vst v63  }
.Ltmp4:
0x125: {  	_ =	swait.ge [sflag:s30], $0x10;
	(pc) =	sbr.rel @!p0 .LBB2_6-.Ltmp4, $4  }
0x126: {  	[sflag:s30] =	ssyncset.done $0x0  }
0x127: {  	s29 =	stileid.u32;
	[sflag:s30] =	ssyncadd.s32 $0xFFFFFFF0  }
0x128: {  	s28 =	sshll.u32 s29, $0x6;
	[bflag:$0x0] =	sbarrier.arrive $0xFFFF  }
0x129: {  	s25 =	sor.u32 $0x1C07, s28;
	s26 =	sshrl.u32 s13, $0x3  }
0x12a: {  	s25 =	sor.u32 $0x1C07, s28;
	s9 =	rddreg [dreg:$0x15]  }
0x12b: {  	[hbm:s9], [sflag:s25] =	dma.local [spmem:s26], $0x2700  }
0x12c: {  	_ =	swait.ge [sflag:s30], $0x2700  }
0x12d: {  	[sflag:s30] =	ssyncset.done $0x0  }
0x12e: {  	s29 =	sshrl.u32 s19, $0x3;
	s12 =	rddreg [dreg:$0x16];
	[sflag:s30] =	ssyncadd.s32 $0xFFFFD900  }
0x12f: {  	[hbm:s12], [sflag:s25] =	dma.local [spmem:s29], $0x50  }
.Ltmp5:
0x130: {  	_ = 	snop;
	(pc) =	sbr.rel @p1 .LBB2_9-.Ltmp5, $4  }
.Ltmp6:
0x131: {  	_ = 	snop;
	(pc) =	sbr.rel @!p1 .LBB2_8-.Ltmp6, $4  }
0x132: {  	_ =	swait.ge [sflag:s30], $0x50  }
0x133: {  	[sflag:s30] =	ssyncset.done $0x0  }
0x134: {  	s26 =	rddreg [dreg:$0x9];
	[sflag:s30] =	ssyncadd.s32 $0xFFFFFFB0  }
0x135: {  	_ = 	snop  }
.LBB2_6:
0x136: {  	s9 =	rddreg [dreg:$0x13]  }
0x137: {  	[hbm:s9], [sflag:s25] =	dma.local [spmem:s26], $0x2700  }
0x138: {  	_ =	swait.ge [sflag:s30], $0x2700  }
0x139: {  	[sflag:s30] =	ssyncset.done $0x0  }
0x13a: {  	s29 =	sshrl.u32 s19, $0x3;
	s12 =	rddreg [dreg:$0x14];
	[sflag:s30] =	ssyncadd.s32 $0xFFFFD900  }
0x13b: {  	[hbm:s12], [sflag:s25] =	dma.local [spmem:s29], $0x50  }
.Ltmp7:
0x13c: {  	_ = 	snop;
	(pc) =	sbr.rel @p2 .LBB2_8-.Ltmp7, $4  }
.Ltmp8:
0x13d: {  	_ =	swait.ge [sflag:s30], $0x50;
	(pc) =	sbr.rel @!p2 .LBB2_9-.Ltmp8, $4  }
0x13e: {  	[sflag:s30] =	ssyncset.done $0x0  }
0x13f: {  	[sflag:s30] =	ssyncadd.s32 $0xFFFFFFB0  }
0x140: {  	s26 =	rddreg [dreg:$0x2]  }
0x141: {  	_ = 	snop  }
.LBB2_10:
0x142: {  	_ =	sfence.sel $0x180000  }
0x143: {  	[bflag:$0x0] =	sbarrier.arrive $0xFFFF  }
0x144: {  	_ =	strace $0x90000047  }
0x145: {  	s0 =	stileid.u32;
	[bflag:$0x2] =	sbarrier.arrive $0xFFFF  }
0x146: {  	p0 =	sne.s32 s0, $0x0;
	s0 =	rddreg [dreg:$0x5]  }
0x147: {  	s0 =	sadd.s32 @!p0 $0x100000, s0  }
0x148: {  	[sflag:s0] =	ssyncadd.tile.s32 @!p0 $0x1;
	_ =	shalt  }
.Lfunc_end2:
_tile_overlayer_lowered:
.L_overlay_start_2:
0x149: {  	(tag) =	ssettag $0x2  }
0x14a: {  	s0 =	rddreg [dreg:$0x0];
	s2 =	stileid.u32  }
0x14b: {  	s1 =	rddreg [dreg:$0x1];
	p0 =	sne.s32 s2, $0x0  }
0x14c: {  	s3 =	rddreg [dreg:$0x2];
	[bflag:$0x3] =	sbarrier.arrive $0xFFFF;
	s2 =	simm.s32 @!p0 $0x1C07  }
0x14d: {  	[timem:s3], [sflag:s2] =	dma.local @!p0 [hbm:s0], s1  }
0x14e: {  	s0 =	simm.s32 @!p0 $0x7  }
0x14f: {  	_ =	swait.ge @!p0 [sflag:s0], s1  }
0x150: {  	s1 =	ssub.s32 @!p0 $0x0, s1;
	[sflag:s0] =	ssyncset.done @!p0 $0x0  }
0x151: {  	[sflag:s0] =	ssyncadd.s32 @!p0 s1  }
0x152: {  	[bflag:$0x3] =	sbarrier.arrive $0xFFFF  }
0x153: {  	_ =	shalt  }

</sc_bundles>
